<compile_context>
chip_gen: v7x
topology: tpu7x:2x2x1
jax: 0.10.2.dev20260603
libtpu: 0.0.44.dev20260713+nightly
codegen_flags: <defaults>
</compile_context>

<pallas_src>
import functools

import jax
import jax.numpy as jnp
from jax import lax
from jax.experimental import pallas as pl
from jax.experimental.pallas import tpu as pltpu
from jax.experimental.pallas import tpu_sc as plsc

DIM = 32
CHB = 512
GD = 4
QUARTER = 4096

_info = plsc.get_sparse_core_info()
_NW = _info.num_cores * _info.num_subcores
_mesh = plsc.VectorSubcoreMesh(core_axis_name="c", subcore_axis_name="s")
_params = pltpu.CompilerParams(
    use_tc_tiling_on_sc=False, needs_layout_passes=False
)


def _wid():
    return lax.axis_index("s") * _info.num_cores + lax.axis_index("c")


def _iota16():
    return lax.broadcasted_iota(jnp.int32, (16,), 0)


@functools.cache
def _gather(n_b, n_l, dim):
    n_units = n_l * (n_b // QUARTER)
    per_w = n_units // _NW
    assert per_w * _NW == n_units and n_b % QUARTER == 0
    ch_per_u = QUARTER // CHB
    n_ch = per_w * ch_per_u
    g_per_ch = CHB // 128
    q_per_l = n_b // QUARTER
    d8 = dim // 8
    cbn = d8 * g_per_ch * 1024

    @functools.partial(
        pl.kernel,
        mesh=_mesh,
        out_type=jax.ShapeDtypeStruct((n_l, d8, n_b // 128, 8, 128), jnp.float32),
        scratch_types=[
            pltpu.VMEM((2, QUARTER), jnp.int32),
            pltpu.VMEM((GD, CHB, dim), jnp.float32),
            pltpu.VMEM((2, d8, g_per_ch, 8, 129), jnp.float32),
            pltpu.SemaphoreType.DMA,
            pltpu.SemaphoreType.DMA((GD,)),
            pltpu.SemaphoreType.DMA((2,)),
        ],
        compiler_params=_params,
    )
    def k(xt_hbm, tl_hbm, out_hbm, idx_v, rows_v, cb_v, isem, gsem, osem):
        w = _wid()
        u0 = w * per_w
        iota = _iota16()
        d8_lo = iota >> 3
        d8_hi = d8_lo + 2
        s8_v = iota & 7

        def unit_coords(u):
            uid = u0 + u
            return uid // q_per_l, uid % q_per_l

        def stage_idx(u, sync):
            l, q = unit_coords(u)
            src = xt_hbm.at[l, pl.ds(q * QUARTER, QUARTER)]
            if sync:
                pltpu.sync_copy(src, idx_v.at[u % 2])
            else:
                pltpu.async_copy(src, idx_v.at[u % 2], isem)

        def start_gather(t):
            u, c = t // ch_per_u, t % ch_per_u
            idx = idx_v.at[u % 2, pl.ds(c * CHB, CHB)]
            pltpu.async_copy(tl_hbm.at[idx], rows_v.at[t % GD], gsem.at[t % GD])

        def out_dst(t, j):
            u, c = t // ch_per_u, t % ch_per_u
            l, q = unit_coords(u)
            bt = q * (QUARTER // 128) + c * g_per_ch
            return out_hbm.at[l, j, pl.ds(bt, g_per_ch)]

        stage_idx(0, True)
        stage_idx(1, False)
        for t0 in range(GD - 1):
            start_gather(t0)

        def body(t, _):
            p = t % 2

            tg = t + GD - 1
            boundary_g = tg % ch_per_u == 0
            nug = tg // ch_per_u

            @pl.when((tg < n_ch) & boundary_g)
            def _wait_idx():
                pltpu.make_async_copy(
                    xt_hbm.at[0, pl.ds(0, QUARTER)], idx_v.at[nug % 2], isem
                ).wait()

            @pl.when(tg < n_ch)
            def _next_gather():
                start_gather(tg)

            pltpu.make_async_copy(
                tl_hbm.at[idx_v.at[0, pl.ds(0, CHB)]],
                rows_v.at[t % GD],
                gsem.at[t % GD],
            ).wait()

            boundary = (t + 1) % ch_per_u == 0
            nu = (t + 1) // ch_per_u

            @pl.when(boundary & (nu + 1 < per_w))
            def _stage_next():
                stage_idx(nu + 1, False)

            @pl.when(t >= 2)
            def _drain_out():
                for j in range(d8):
                    pltpu.make_async_copy(
                        cb_v.at[p, j, :, :, pl.ds(0, 128)],
                        out_dst(t, j),
                        osem.at[p],
                    ).wait()

            g = t % GD

            @plsc.parallel_loop(0, CHB, unroll=8)
            def _row(r):
                gv = jnp.full((16,), r >> 7, dtype=jnp.int32)
                lv = jnp.full((16,), r & 127, dtype=jnp.int32)
                vlo = rows_v[g, r, pl.ds(0, 16)]
                vhi = rows_v[g, r, pl.ds(16, 16)]
                plsc.store_scatter(cb_v.at[p], [d8_lo, gv, s8_v, lv], vlo)
                plsc.store_scatter(cb_v.at[p], [d8_hi, gv, s8_v, lv], vhi)

            for j in range(d8):
                pltpu.async_copy(
                    cb_v.at[p, j, :, :, pl.ds(0, 128)],
                    out_dst(t, j),
                    osem.at[p],
                )

            return 0

        lax.fori_loop(0, n_ch, body, 0)

        for t in (n_ch - 2, n_ch - 1):
            for j in range(d8):
                pltpu.make_async_copy(
                    cb_v.at[t % 2, j, :, :, pl.ds(0, 128)],
                    out_dst(t, j),
                    osem.at[t % 2],
                ).wait()

    return k


def kernel(x, table):
    b, l = x.shape
    vocab, dim = table.shape
    out5 = _gather(b, l, dim)(x.T, table)
    return jnp.transpose(out5, (2, 4, 0, 1, 3)).reshape(b, l, dim)

# --- scband reference (transcript-rebuilt; emitter-appended) ---
"""Pipeline reference for scband-embedding-2121713845169 (READ-ONLY COPY).

The authoritative reference and input builder live on the scoring server;
editing this copy changes nothing except your own understanding.
"""

import jax, jax.numpy as jnp
import numpy as np

VOCAB = 1000000
DIM = 32
B = 16384
L = 200


def setup_inputs(seed: int = 0) -> dict:
    key = jax.random.key(seed)
    k1, k2 = jax.random.split(key)
    # xavier_uniform with gain = calculate_gain('leaky_relu', 0.1) = sqrt(2/(1+0.1^2))
    gain = np.sqrt(2.0 / (1.0 + 0.1 ** 2))
    bound = gain * np.sqrt(6.0 / (VOCAB + DIM))
    table = jax.random.uniform(k1, (VOCAB, DIM), dtype=jnp.float32, minval=-bound, maxval=bound)
    x = jax.random.randint(k2, (B, L), 0, VOCAB, dtype=jnp.int64 if jax.config.jax_enable_x64 else jnp.int32)
    return {"x": x, "table": table}


def reference(x, table):
    # Embedding lookup: gather rows of the table by index.
    # (input_dropout=0 and eval mode -> no masking; padding_idx=None)
    return jnp.take(table, x, axis=0)

if __name__ == "__main__":
    import jax
    _d = setup_inputs()
    print(jax.jit(kernel)(*tuple(_d.values())))

</pallas_src>

<mosaic_0001>
#map = affine_map<(d0, d1) -> (0, 0)>
#map1 = affine_map<(d0, d1) -> (0, 0, 0, 0, 0)>
module attributes {stable_mosaic.version = 14 : i64} {
  func.func @k(%arg0: i32, %arg1: i32, %arg2: memref<200x16384xi32, #tpu.memory_space<hbm>>, %arg3: memref<1000000x32xf32, #tpu.memory_space<hbm>>, %arg4: memref<200x4x128x8x128xf32, #tpu.memory_space<hbm>>, %arg5: memref<2x4096xi32, #tpu.memory_space<vmem>>, %arg6: memref<4x512x32xf32, #tpu.memory_space<vmem>>, %arg7: memref<2x4x4x8x129xf32, #tpu.memory_space<vmem>>, %arg8: memref<!tpu.dma_semaphore, #tpu.memory_space<semaphore_mem>>, %arg9: memref<4x!tpu.dma_semaphore, #tpu.memory_space<semaphore_mem>>, %arg10: memref<2x!tpu.dma_semaphore, #tpu.memory_space<semaphore_mem>>) attributes {dimension_semantics = [#tpu.dimension_semantics<core_parallel>, #tpu.dimension_semantics<subcore_parallel>], iteration_bounds = array<i64: 2, 16>, scalar_prefetch = 0 : i64, scratch_operands = 6 : i64, tpu.core_type = #tpu.core_type<sc_vector_subcore>, window_params = [{transform_indices = #map}, {transform_indices = #map}, {transform_indices = #map1}]} {
    %mul3A = arith.constant 2 : i32
    %mul3A_0 = arith.muli %arg1, %mul3A : i32
    %add3A = arith.addi %mul3A_0, %arg0 : i32
    %mul3A_1 = arith.constant 25 : i32
    %mul3A_2 = arith.muli %add3A, %mul3A_1 : i32
    %iota3A = tpu.iota {dimensions = array<i32: 0>} : vector<16xi32>
    %shift_right_arithmetic3A = arith.constant 3 : i32
    %shift_right_arithmetic3A_3 = vector.broadcast %shift_right_arithmetic3A : i32 to vector<16xi32>
    %shift_right_arithmetic3A_4 = arith.shrsi %iota3A, %shift_right_arithmetic3A_3 : vector<16xi32>
    %add3A_5 = arith.constant 2 : i32
    %add3A_6 = vector.broadcast %add3A_5 : i32 to vector<16xi32>
    %add3A_7 = arith.addi %shift_right_arithmetic3A_4, %add3A_6 : vector<16xi32>
    %and3A = arith.constant 7 : i32
    %and3A_8 = vector.broadcast %and3A : i32 to vector<16xi32>
    %and3A_9 = arith.andi %iota3A, %and3A_8 : vector<16xi32>
    %add3A_10 = arith.constant 0 : i32
    %add3A_11 = arith.addi %mul3A_2, %add3A_10 : i32
    %jit3A = arith.constant 4 : i32
    %div3A = arith.divsi %add3A_11, %jit3A : i32
    %sign3A = arith.constant 0 : i32
    %sign3A_12 = arith.cmpi sgt, %add3A_11, %sign3A : i32
    %sign3A_13 = arith.extui %sign3A_12 : i1 to i32
    %sign3A_14 = arith.constant 0 : i32
    %sign3A_15 = arith.cmpi slt, %add3A_11, %sign3A_14 : i32
    %sign3A_16 = arith.extui %sign3A_15 : i1 to i32
    %sign3A_17 = arith.subi %sign3A_13, %sign3A_16 : i32
    %sign3A_18 = arith.constant 0 : i32
    %sign3A_19 = arith.cmpi sgt, %jit3A, %sign3A_18 : i32
    %sign3A_20 = arith.extui %sign3A_19 : i1 to i32
    %sign3A_21 = arith.constant 0 : i32
    %sign3A_22 = arith.cmpi slt, %jit3A, %sign3A_21 : i32
    %sign3A_23 = arith.extui %sign3A_22 : i1 to i32
    %sign3A_24 = arith.subi %sign3A_20, %sign3A_23 : i32
    %ne3A = arith.cmpi ne, %sign3A_17, %sign3A_24 : i32
    %rem3A = arith.remsi %add3A_11, %jit3A : i32
    %ne3A_25 = arith.constant 0 : i32
    %ne3A_26 = arith.cmpi ne, %rem3A, %ne3A_25 : i32
    %and3A_27 = arith.andi %ne3A, %ne3A_26 : i1
    %sub3A = arith.constant 1 : i32
    %sub3A_28 = arith.subi %div3A, %sub3A : i32
    %select_n3A = arith.select %and3A_27, %sub3A_28, %div3A : i32
    %jit3A_29 = arith.constant 4 : i32
    %eq3A = arith.constant 0 : i32
    %eq3A_30 = arith.cmpi eq, %jit3A_29, %eq3A : i32
    %jit3A_31 = arith.constant 1 : i32
    %select_n3A_32 = arith.select %eq3A_30, %jit3A_31, %jit3A_29 : i32
    %rem3A_33 = arith.remsi %add3A_11, %select_n3A_32 : i32
    %ne3A_34 = arith.constant 0 : i32
    %ne3A_35 = arith.cmpi ne, %rem3A_33, %ne3A_34 : i32
    %lt3A = arith.constant 0 : i32
    %lt3A_36 = arith.cmpi slt, %rem3A_33, %lt3A : i32
    %lt3A_37 = arith.constant 0 : i32
    %lt3A_38 = arith.cmpi slt, %select_n3A_32, %lt3A_37 : i32
    %ne3A_39 = arith.xori %lt3A_36, %lt3A_38 : i1
    %and3A_40 = arith.andi %ne3A_39, %ne3A_35 : i1
    %add3A_41 = arith.addi %rem3A_33, %select_n3A_32 : i32
    %select_n3A_42 = arith.select %and3A_40, %add3A_41, %rem3A_33 : i32
    %mul3A_43 = arith.constant 4096 : i32
    %mul3A_44 = arith.muli %select_n3A_42, %mul3A_43 : i32
    %run_scoped3A = arith.constant 0 : i32
    "tpu.region"() ({
      %run_scoped3A_709 = tpu.sem_alloc : memref<!tpu.dma_semaphore, #tpu.memory_space<semaphore_mem>>
      %dma_start3A_710 = arith.constant 0 : i32
      %dma_start3A_711 = tpu.memref_slice %arg5[%run_scoped3A, %dma_start3A_710] : memref<2x4096xi32, #tpu.memory_space<vmem>> -> memref<1x4096xi32, #tpu.memory_space<vmem>>
      %dma_start3A_712 = tpu.memref_squeeze %dma_start3A_711 : memref<1x4096xi32, #tpu.memory_space<vmem>> -> memref<4096xi32, #tpu.memory_space<vmem>>
      %dma_start3A_713 = tpu.memref_slice %arg2[%select_n3A, %mul3A_44] : memref<200x16384xi32, #tpu.memory_space<hbm>> -> memref<1x4096xi32, #tpu.memory_space<hbm>>
      %dma_start3A_714 = tpu.memref_squeeze %dma_start3A_713 : memref<1x4096xi32, #tpu.memory_space<hbm>> -> memref<4096xi32, #tpu.memory_space<hbm>>
      %dma_start3A_715 = arith.constant 0 : i32
      %dma_start3A_716 = tpu.memref_slice %arg5[%run_scoped3A, %dma_start3A_715] : memref<2x4096xi32, #tpu.memory_space<vmem>> -> memref<1x4096xi32, #tpu.memory_space<vmem>>
      %dma_start3A_717 = tpu.memref_squeeze %dma_start3A_716 : memref<1x4096xi32, #tpu.memory_space<vmem>> -> memref<4096xi32, #tpu.memory_space<vmem>>
      %dma_start3A_718 = tpu.memref_slice %arg2[%select_n3A, %mul3A_44] : memref<200x16384xi32, #tpu.memory_space<hbm>> -> memref<1x4096xi32, #tpu.memory_space<hbm>>
      %dma_start3A_719 = tpu.memref_squeeze %dma_start3A_718 : memref<1x4096xi32, #tpu.memory_space<hbm>> -> memref<4096xi32, #tpu.memory_space<hbm>>
      tpu.enqueue_dma source(%dma_start3A_719 : memref<4096xi32, #tpu.memory_space<hbm>>) target(%dma_start3A_717 : memref<4096xi32, #tpu.memory_space<vmem>>) target_semaphore(%run_scoped3A_709 : memref<!tpu.dma_semaphore, #tpu.memory_space<semaphore_mem>>)
      %dma_wait3A_720 = arith.constant 0 : i32
      %dma_wait3A_721 = tpu.memref_slice %arg5[%run_scoped3A, %dma_wait3A_720] : memref<2x4096xi32, #tpu.memory_space<vmem>> -> memref<1x4096xi32, #tpu.memory_space<vmem>>
      %dma_wait3A_722 = tpu.memref_squeeze %dma_wait3A_721 : memref<1x4096xi32, #tpu.memory_space<vmem>> -> memref<4096xi32, #tpu.memory_space<vmem>>
      %dma_wait3A_723 = tpu.memref_slice %arg2[%select_n3A, %mul3A_44] : memref<200x16384xi32, #tpu.memory_space<hbm>> -> memref<1x4096xi32, #tpu.memory_space<hbm>>
      %dma_wait3A_724 = tpu.memref_squeeze %dma_wait3A_723 : memref<1x4096xi32, #tpu.memory_space<hbm>> -> memref<4096xi32, #tpu.memory_space<hbm>>
      %dma_wait3A_725 = arith.constant 0 : i32
      %dma_wait3A_726 = tpu.memref_slice %arg5[%run_scoped3A, %dma_wait3A_725] : memref<2x4096xi32, #tpu.memory_space<vmem>> -> memref<1x4096xi32, #tpu.memory_space<vmem>>
      %dma_wait3A_727 = tpu.memref_squeeze %dma_wait3A_726 : memref<1x4096xi32, #tpu.memory_space<vmem>> -> memref<4096xi32, #tpu.memory_space<vmem>>
      %dma_wait3A_728 = tpu.memref_slice %arg2[%select_n3A, %mul3A_44] : memref<200x16384xi32, #tpu.memory_space<hbm>> -> memref<1x4096xi32, #tpu.memory_space<hbm>>
      %dma_wait3A_729 = tpu.memref_squeeze %dma_wait3A_728 : memref<1x4096xi32, #tpu.memory_space<hbm>> -> memref<4096xi32, #tpu.memory_space<hbm>>
      tpu.wait_dma2 semaphore(%run_scoped3A_709 : memref<!tpu.dma_semaphore, #tpu.memory_space<semaphore_mem>>) src(%dma_wait3A_729 : memref<4096xi32, #tpu.memory_space<hbm>>) dst(%dma_wait3A_727 : memref<4096xi32, #tpu.memory_space<vmem>>)
      tpu.yield
    }) : () -> ()
    %add3A_45 = arith.constant 1 : i32
    %add3A_46 = arith.addi %mul3A_2, %add3A_45 : i32
    %jit3A_47 = arith.constant 4 : i32
    %div3A_48 = arith.divsi %add3A_46, %jit3A_47 : i32
    %sign3A_49 = arith.constant 0 : i32
    %sign3A_50 = arith.cmpi sgt, %add3A_46, %sign3A_49 : i32
    %sign3A_51 = arith.extui %sign3A_50 : i1 to i32
    %sign3A_52 = arith.constant 0 : i32
    %sign3A_53 = arith.cmpi slt, %add3A_46, %sign3A_52 : i32
    %sign3A_54 = arith.extui %sign3A_53 : i1 to i32
    %sign3A_55 = arith.subi %sign3A_51, %sign3A_54 : i32
    %sign3A_56 = arith.constant 0 : i32
    %sign3A_57 = arith.cmpi sgt, %jit3A_47, %sign3A_56 : i32
    %sign3A_58 = arith.extui %sign3A_57 : i1 to i32
    %sign3A_59 = arith.constant 0 : i32
    %sign3A_60 = arith.cmpi slt, %jit3A_47, %sign3A_59 : i32
    %sign3A_61 = arith.extui %sign3A_60 : i1 to i32
    %sign3A_62 = arith.subi %sign3A_58, %sign3A_61 : i32
    %ne3A_63 = arith.cmpi ne, %sign3A_55, %sign3A_62 : i32
    %rem3A_64 = arith.remsi %add3A_46, %jit3A_47 : i32
    %ne3A_65 = arith.constant 0 : i32
    %ne3A_66 = arith.cmpi ne, %rem3A_64, %ne3A_65 : i32
    %and3A_67 = arith.andi %ne3A_63, %ne3A_66 : i1
    %sub3A_68 = arith.constant 1 : i32
    %sub3A_69 = arith.subi %div3A_48, %sub3A_68 : i32
    %select_n3A_70 = arith.select %and3A_67, %sub3A_69, %div3A_48 : i32
    %jit3A_71 = arith.constant 4 : i32
    %eq3A_72 = arith.constant 0 : i32
    %eq3A_73 = arith.cmpi eq, %jit3A_71, %eq3A_72 : i32
    %jit3A_74 = arith.constant 1 : i32
    %select_n3A_75 = arith.select %eq3A_73, %jit3A_74, %jit3A_71 : i32
    %rem3A_76 = arith.remsi %add3A_46, %select_n3A_75 : i32
    %ne3A_77 = arith.constant 0 : i32
    %ne3A_78 = arith.cmpi ne, %rem3A_76, %ne3A_77 : i32
    %lt3A_79 = arith.constant 0 : i32
    %lt3A_80 = arith.cmpi slt, %rem3A_76, %lt3A_79 : i32
    %lt3A_81 = arith.constant 0 : i32
    %lt3A_82 = arith.cmpi slt, %select_n3A_75, %lt3A_81 : i32
    %ne3A_83 = arith.xori %lt3A_80, %lt3A_82 : i1
    %and3A_84 = arith.andi %ne3A_83, %ne3A_78 : i1
    %add3A_85 = arith.addi %rem3A_76, %select_n3A_75 : i32
    %select_n3A_86 = arith.select %and3A_84, %add3A_85, %rem3A_76 : i32
    %mul3A_87 = arith.constant 4096 : i32
    %mul3A_88 = arith.muli %select_n3A_86, %mul3A_87 : i32
    %dma_start3A = arith.constant 1 : i32
    %dma_start3A_89 = arith.constant 0 : i32
    %dma_start3A_90 = tpu.memref_slice %arg5[%dma_start3A, %dma_start3A_89] : memref<2x4096xi32, #tpu.memory_space<vmem>> -> memref<1x4096xi32, #tpu.memory_space<vmem>>
    %dma_start3A_91 = tpu.memref_squeeze %dma_start3A_90 : memref<1x4096xi32, #tpu.memory_space<vmem>> -> memref<4096xi32, #tpu.memory_space<vmem>>
    %dma_start3A_92 = tpu.memref_slice %arg2[%select_n3A_70, %mul3A_88] : memref<200x16384xi32, #tpu.memory_space<hbm>> -> memref<1x4096xi32, #tpu.memory_space<hbm>>
    %dma_start3A_93 = tpu.memref_squeeze %dma_start3A_92 : memref<1x4096xi32, #tpu.memory_space<hbm>> -> memref<4096xi32, #tpu.memory_space<hbm>>
    %dma_start3A_94 = arith.constant 0 : i32
    %dma_start3A_95 = tpu.memref_slice %arg5[%dma_start3A, %dma_start3A_94] : memref<2x4096xi32, #tpu.memory_space<vmem>> -> memref<1x4096xi32, #tpu.memory_space<vmem>>
    %dma_start3A_96 = tpu.memref_squeeze %dma_start3A_95 : memref<1x4096xi32, #tpu.memory_space<vmem>> -> memref<4096xi32, #tpu.memory_space<vmem>>
    %dma_start3A_97 = tpu.memref_slice %arg2[%select_n3A_70, %mul3A_88] : memref<200x16384xi32, #tpu.memory_space<hbm>> -> memref<1x4096xi32, #tpu.memory_space<hbm>>
    %dma_start3A_98 = tpu.memref_squeeze %dma_start3A_97 : memref<1x4096xi32, #tpu.memory_space<hbm>> -> memref<4096xi32, #tpu.memory_space<hbm>>
    tpu.enqueue_dma source(%dma_start3A_98 : memref<4096xi32, #tpu.memory_space<hbm>>) target(%dma_start3A_96 : memref<4096xi32, #tpu.memory_space<vmem>>) target_semaphore(%arg8 : memref<!tpu.dma_semaphore, #tpu.memory_space<semaphore_mem>>)
    %dma_start3A_99 = arith.constant 0 : i32
    %dma_start3A_100 = arith.constant 0 : i32
    %dma_start3A_101 = arith.constant 0 : i32
    %dma_start3A_102 = arith.constant 0 : i32
    %dma_start3A_103 = arith.constant 0 : i32
    %dma_start3A_104 = tpu.memref_slice %arg6[%dma_start3A_100, %dma_start3A_102, %dma_start3A_103] : memref<4x512x32xf32, #tpu.memory_space<vmem>> -> memref<1x512x32xf32, #tpu.memory_space<vmem>>
    %dma_start3A_105 = tpu.memref_squeeze %dma_start3A_104 : memref<1x512x32xf32, #tpu.memory_space<vmem>> -> memref<512x32xf32, #tpu.memory_space<vmem>>
    %dma_start3A_106 = arith.constant 0 : i32
    %dma_start3A_107 = tpu.memref_slice %arg5[%dma_start3A_99, %dma_start3A_106] : memref<2x4096xi32, #tpu.memory_space<vmem>> -> memref<1x512xi32, #tpu.memory_space<vmem>>
    %dma_start3A_108 = tpu.memref_squeeze %dma_start3A_107 : memref<1x512xi32, #tpu.memory_space<vmem>> -> memref<512xi32, #tpu.memory_space<vmem>>
    %dma_start3A_109 = arith.constant 0 : i32
    %dma_start3A_110 = arith.constant 0 : i32
    %dma_start3A_111 = tpu.memref_slice %arg3[%dma_start3A_109, %dma_start3A_110] : memref<1000000x32xf32, #tpu.memory_space<hbm>> -> memref<1000000x32xf32, #tpu.memory_space<hbm>>
    %dma_start3A_112 = tpu.memref_slice %arg9[%dma_start3A_101] : memref<4x!tpu.dma_semaphore, #tpu.memory_space<semaphore_mem>> -> memref<1x!tpu.dma_semaphore, #tpu.memory_space<semaphore_mem>>
    %dma_start3A_113 = tpu.memref_squeeze %dma_start3A_112 : memref<1x!tpu.dma_semaphore, #tpu.memory_space<semaphore_mem>> -> memref<!tpu.dma_semaphore, #tpu.memory_space<semaphore_mem>>
    tpu.enqueue_indirect_dma source(%dma_start3A_111 : memref<1000000x32xf32, #tpu.memory_space<hbm>>) target(%dma_start3A_105 : memref<512x32xf32, #tpu.memory_space<vmem>>) offsets(%dma_start3A_108 : memref<512xi32, #tpu.memory_space<vmem>>) semaphore(%dma_start3A_113 : memref<!tpu.dma_semaphore, #tpu.memory_space<semaphore_mem>>)
    %dma_start3A_114 = arith.constant 0 : i32
    %dma_start3A_115 = arith.constant 1 : i32
    %dma_start3A_116 = arith.constant 1 : i32
    %dma_start3A_117 = arith.constant 0 : i32
    %dma_start3A_118 = arith.constant 0 : i32
    %dma_start3A_119 = tpu.memref_slice %arg6[%dma_start3A_115, %dma_start3A_117, %dma_start3A_118] : memref<4x512x32xf32, #tpu.memory_space<vmem>> -> memref<1x512x32xf32, #tpu.memory_space<vmem>>
    %dma_start3A_120 = tpu.memref_squeeze %dma_start3A_119 : memref<1x512x32xf32, #tpu.memory_space<vmem>> -> memref<512x32xf32, #tpu.memory_space<vmem>>
    %dma_start3A_121 = arith.constant 512 : i32
    %dma_start3A_122 = tpu.memref_slice %arg5[%dma_start3A_114, %dma_start3A_121] : memref<2x4096xi32, #tpu.memory_space<vmem>> -> memref<1x512xi32, #tpu.memory_space<vmem>>
    %dma_start3A_123 = tpu.memref_squeeze %dma_start3A_122 : memref<1x512xi32, #tpu.memory_space<vmem>> -> memref<512xi32, #tpu.memory_space<vmem>>
    %dma_start3A_124 = arith.constant 0 : i32
    %dma_start3A_125 = arith.constant 0 : i32
    %dma_start3A_126 = tpu.memref_slice %arg3[%dma_start3A_124, %dma_start3A_125] : memref<1000000x32xf32, #tpu.memory_space<hbm>> -> memref<1000000x32xf32, #tpu.memory_space<hbm>>
    %dma_start3A_127 = tpu.memref_slice %arg9[%dma_start3A_116] : memref<4x!tpu.dma_semaphore, #tpu.memory_space<semaphore_mem>> -> memref<1x!tpu.dma_semaphore, #tpu.memory_space<semaphore_mem>>
    %dma_start3A_128 = tpu.memref_squeeze %dma_start3A_127 : memref<1x!tpu.dma_semaphore, #tpu.memory_space<semaphore_mem>> -> memref<!tpu.dma_semaphore, #tpu.memory_space<semaphore_mem>>
    tpu.enqueue_indirect_dma source(%dma_start3A_126 : memref<1000000x32xf32, #tpu.memory_space<hbm>>) target(%dma_start3A_120 : memref<512x32xf32, #tpu.memory_space<vmem>>) offsets(%dma_start3A_123 : memref<512xi32, #tpu.memory_space<vmem>>) semaphore(%dma_start3A_128 : memref<!tpu.dma_semaphore, #tpu.memory_space<semaphore_mem>>)
    %dma_start3A_129 = arith.constant 0 : i32
    %dma_start3A_130 = arith.constant 2 : i32
    %dma_start3A_131 = arith.constant 2 : i32
    %dma_start3A_132 = arith.constant 0 : i32
    %dma_start3A_133 = arith.constant 0 : i32
    %dma_start3A_134 = tpu.memref_slice %arg6[%dma_start3A_130, %dma_start3A_132, %dma_start3A_133] : memref<4x512x32xf32, #tpu.memory_space<vmem>> -> memref<1x512x32xf32, #tpu.memory_space<vmem>>
    %dma_start3A_135 = tpu.memref_squeeze %dma_start3A_134 : memref<1x512x32xf32, #tpu.memory_space<vmem>> -> memref<512x32xf32, #tpu.memory_space<vmem>>
    %dma_start3A_136 = arith.constant 1024 : i32
    %dma_start3A_137 = tpu.memref_slice %arg5[%dma_start3A_129, %dma_start3A_136] : memref<2x4096xi32, #tpu.memory_space<vmem>> -> memref<1x512xi32, #tpu.memory_space<vmem>>
    %dma_start3A_138 = tpu.memref_squeeze %dma_start3A_137 : memref<1x512xi32, #tpu.memory_space<vmem>> -> memref<512xi32, #tpu.memory_space<vmem>>
    %dma_start3A_139 = arith.constant 0 : i32
    %dma_start3A_140 = arith.constant 0 : i32
    %dma_start3A_141 = tpu.memref_slice %arg3[%dma_start3A_139, %dma_start3A_140] : memref<1000000x32xf32, #tpu.memory_space<hbm>> -> memref<1000000x32xf32, #tpu.memory_space<hbm>>
    %dma_start3A_142 = tpu.memref_slice %arg9[%dma_start3A_131] : memref<4x!tpu.dma_semaphore, #tpu.memory_space<semaphore_mem>> -> memref<1x!tpu.dma_semaphore, #tpu.memory_space<semaphore_mem>>
    %dma_start3A_143 = tpu.memref_squeeze %dma_start3A_142 : memref<1x!tpu.dma_semaphore, #tpu.memory_space<semaphore_mem>> -> memref<!tpu.dma_semaphore, #tpu.memory_space<semaphore_mem>>
    tpu.enqueue_indirect_dma source(%dma_start3A_141 : memref<1000000x32xf32, #tpu.memory_space<hbm>>) target(%dma_start3A_135 : memref<512x32xf32, #tpu.memory_space<vmem>>) offsets(%dma_start3A_138 : memref<512xi32, #tpu.memory_space<vmem>>) semaphore(%dma_start3A_143 : memref<!tpu.dma_semaphore, #tpu.memory_space<semaphore_mem>>)
    %scan3A = arith.constant 0 : i32
    %scan3A_144 = arith.constant 0 : i32
    %scan3A_145 = arith.constant 200 : i32
    %scan3A_146 = arith.addi %scan3A_144, %scan3A_145 : i32
    %scan3A_147 = arith.constant 1 : i32
    %scan3A_148 = scf.for %scan3A_709 = %scan3A_144 to %scan3A_146 step %scan3A_147 iter_args(%scan3A_710 = %scan3A) -> (i32)  : i32 {
      %jit3A_711 = arith.constant 2 : i32
      %eq3A_712 = arith.constant 0 : i32
      %eq3A_713 = arith.cmpi eq, %jit3A_711, %eq3A_712 : i32
      %jit3A_714 = arith.constant 1 : i32
      %select_n3A_715 = arith.select %eq3A_713, %jit3A_714, %jit3A_711 : i32
      %rem3A_716 = arith.remsi %scan3A_709, %select_n3A_715 : i32
      %ne3A_717 = arith.constant 0 : i32
      %ne3A_718 = arith.cmpi ne, %rem3A_716, %ne3A_717 : i32
      %lt3A_719 = arith.constant 0 : i32
      %lt3A_720 = arith.cmpi slt, %rem3A_716, %lt3A_719 : i32
      %lt3A_721 = arith.constant 0 : i32
      %lt3A_722 = arith.cmpi slt, %select_n3A_715, %lt3A_721 : i32
      %ne3A_723 = arith.xori %lt3A_720, %lt3A_722 : i1
      %and3A_724 = arith.andi %ne3A_723, %ne3A_718 : i1
      %add3A_725 = arith.addi %rem3A_716, %select_n3A_715 : i32
      %select_n3A_726 = arith.select %and3A_724, %add3A_725, %rem3A_716 : i32
      %add3A_727 = arith.constant 4 : i32
      %add3A_728 = arith.addi %scan3A_709, %add3A_727 : i32
      %sub3A_729 = arith.constant 1 : i32
      %sub3A_730 = arith.subi %add3A_728, %sub3A_729 : i32
      %jit3A_731 = arith.constant 8 : i32
      %eq3A_732 = arith.constant 0 : i32
      %eq3A_733 = arith.cmpi eq, %jit3A_731, %eq3A_732 : i32
      %jit3A_734 = arith.constant 1 : i32
      %select_n3A_735 = arith.select %eq3A_733, %jit3A_734, %jit3A_731 : i32
      %rem3A_736 = arith.remsi %sub3A_730, %select_n3A_735 : i32
      %ne3A_737 = arith.constant 0 : i32
      %ne3A_738 = arith.cmpi ne, %rem3A_736, %ne3A_737 : i32
      %lt3A_739 = arith.constant 0 : i32
      %lt3A_740 = arith.cmpi slt, %rem3A_736, %lt3A_739 : i32
      %lt3A_741 = arith.constant 0 : i32
      %lt3A_742 = arith.cmpi slt, %select_n3A_735, %lt3A_741 : i32
      %ne3A_743 = arith.xori %lt3A_740, %lt3A_742 : i1
      %and3A_744 = arith.andi %ne3A_743, %ne3A_738 : i1
      %add3A_745 = arith.addi %rem3A_736, %select_n3A_735 : i32
      %select_n3A_746 = arith.select %and3A_744, %add3A_745, %rem3A_736 : i32
      %eq3A_747 = arith.constant 0 : i32
      %eq3A_748 = arith.cmpi eq, %select_n3A_746, %eq3A_747 : i32
      %jit3A_749 = arith.constant 8 : i32
      %div3A_750 = arith.divsi %sub3A_730, %jit3A_749 : i32
      %sign3A_751 = arith.constant 0 : i32
      %sign3A_752 = arith.cmpi sgt, %sub3A_730, %sign3A_751 : i32
      %sign3A_753 = arith.extui %sign3A_752 : i1 to i32
      %sign3A_754 = arith.constant 0 : i32
      %sign3A_755 = arith.cmpi slt, %sub3A_730, %sign3A_754 : i32
      %sign3A_756 = arith.extui %sign3A_755 : i1 to i32
      %sign3A_757 = arith.subi %sign3A_753, %sign3A_756 : i32
      %sign3A_758 = arith.constant 0 : i32
      %sign3A_759 = arith.cmpi sgt, %jit3A_749, %sign3A_758 : i32
      %sign3A_760 = arith.extui %sign3A_759 : i1 to i32
      %sign3A_761 = arith.constant 0 : i32
      %sign3A_762 = arith.cmpi slt, %jit3A_749, %sign3A_761 : i32
      %sign3A_763 = arith.extui %sign3A_762 : i1 to i32
      %sign3A_764 = arith.subi %sign3A_760, %sign3A_763 : i32
      %ne3A_765 = arith.cmpi ne, %sign3A_757, %sign3A_764 : i32
      %rem3A_766 = arith.remsi %sub3A_730, %jit3A_749 : i32
      %ne3A_767 = arith.constant 0 : i32
      %ne3A_768 = arith.cmpi ne, %rem3A_766, %ne3A_767 : i32
      %and3A_769 = arith.andi %ne3A_765, %ne3A_768 : i1
      %sub3A_770 = arith.constant 1 : i32
      %sub3A_771 = arith.subi %div3A_750, %sub3A_770 : i32
      %select_n3A_772 = arith.select %and3A_769, %sub3A_771, %div3A_750 : i32
      %lt3A_773 = arith.constant 200 : i32
      %lt3A_774 = arith.cmpi slt, %sub3A_730, %lt3A_773 : i32
      %and3A_775 = arith.andi %lt3A_774, %eq3A_748 : i1
      %convert_element_type3A = arith.extui %and3A_775 : i1 to i32
      %cond3A = arith.constant 0 : i32
      %cond3A_776 = arith.cmpi ne, %convert_element_type3A, %cond3A : i32
      scf.if %cond3A_776 {
        %jit3A_1336 = arith.constant 2 : i32
        %eq3A_1337 = arith.constant 0 : i32
        %eq3A_1338 = arith.cmpi eq, %jit3A_1336, %eq3A_1337 : i32
        %jit3A_1339 = arith.constant 1 : i32
        %select_n3A_1340 = arith.select %eq3A_1338, %jit3A_1339, %jit3A_1336 : i32
        %rem3A_1341 = arith.remsi %select_n3A_772, %select_n3A_1340 : i32
        %ne3A_1342 = arith.constant 0 : i32
        %ne3A_1343 = arith.cmpi ne, %rem3A_1341, %ne3A_1342 : i32
        %lt3A_1344 = arith.constant 0 : i32
        %lt3A_1345 = arith.cmpi slt, %rem3A_1341, %lt3A_1344 : i32
        %lt3A_1346 = arith.constant 0 : i32
        %lt3A_1347 = arith.cmpi slt, %select_n3A_1340, %lt3A_1346 : i32
        %ne3A_1348 = arith.xori %lt3A_1345, %lt3A_1347 : i1
        %and3A_1349 = arith.andi %ne3A_1348, %ne3A_1343 : i1
        %add3A_1350 = arith.addi %rem3A_1341, %select_n3A_1340 : i32
        %select_n3A_1351 = arith.select %and3A_1349, %add3A_1350, %rem3A_1341 : i32
        %dma_wait3A_1352 = arith.constant 0 : i32
        %dma_wait3A_1353 = arith.constant 0 : i32
        %dma_wait3A_1354 = tpu.memref_slice %arg5[%select_n3A_1351, %dma_wait3A_1353] : memref<2x4096xi32, #tpu.memory_space<vmem>> -> memref<1x4096xi32, #tpu.memory_space<vmem>>
        %dma_wait3A_1355 = tpu.memref_squeeze %dma_wait3A_1354 : memref<1x4096xi32, #tpu.memory_space<vmem>> -> memref<4096xi32, #tpu.memory_space<vmem>>
        %dma_wait3A_1356 = arith.constant 0 : i32
        %dma_wait3A_1357 = tpu.memref_slice %arg2[%dma_wait3A_1352, %dma_wait3A_1356] : memref<200x16384xi32, #tpu.memory_space<hbm>> -> memref<1x4096xi32, #tpu.memory_space<hbm>>
        %dma_wait3A_1358 = tpu.memref_squeeze %dma_wait3A_1357 : memref<1x4096xi32, #tpu.memory_space<hbm>> -> memref<4096xi32, #tpu.memory_space<hbm>>
        %dma_wait3A_1359 = arith.constant 0 : i32
        %dma_wait3A_1360 = tpu.memref_slice %arg5[%select_n3A_1351, %dma_wait3A_1359] : memref<2x4096xi32, #tpu.memory_space<vmem>> -> memref<1x4096xi32, #tpu.memory_space<vmem>>
        %dma_wait3A_1361 = tpu.memref_squeeze %dma_wait3A_1360 : memref<1x4096xi32, #tpu.memory_space<vmem>> -> memref<4096xi32, #tpu.memory_space<vmem>>
        %dma_wait3A_1362 = arith.constant 0 : i32
        %dma_wait3A_1363 = tpu.memref_slice %arg2[%dma_wait3A_1352, %dma_wait3A_1362] : memref<200x16384xi32, #tpu.memory_space<hbm>> -> memref<1x4096xi32, #tpu.memory_space<hbm>>
        %dma_wait3A_1364 = tpu.memref_squeeze %dma_wait3A_1363 : memref<1x4096xi32, #tpu.memory_space<hbm>> -> memref<4096xi32, #tpu.memory_space<hbm>>
        tpu.wait_dma2 semaphore(%arg8 : memref<!tpu.dma_semaphore, #tpu.memory_space<semaphore_mem>>) src(%dma_wait3A_1364 : memref<4096xi32, #tpu.memory_space<hbm>>) dst(%dma_wait3A_1361 : memref<4096xi32, #tpu.memory_space<vmem>>)
      } else {
      }
      %lt3A_777 = arith.constant 200 : i32
      %lt3A_778 = arith.cmpi slt, %sub3A_730, %lt3A_777 : i32
      %convert_element_type3A_779 = arith.extui %lt3A_778 : i1 to i32
      %cond3A_780 = arith.constant 0 : i32
      %cond3A_781 = arith.cmpi ne, %convert_element_type3A_779, %cond3A_780 : i32
      scf.if %cond3A_781 {
        %jit3A_1336 = arith.constant 8 : i32
        %div3A_1337 = arith.divsi %sub3A_730, %jit3A_1336 : i32
        %sign3A_1338 = arith.constant 0 : i32
        %sign3A_1339 = arith.cmpi sgt, %sub3A_730, %sign3A_1338 : i32
        %sign3A_1340 = arith.extui %sign3A_1339 : i1 to i32
        %sign3A_1341 = arith.constant 0 : i32
        %sign3A_1342 = arith.cmpi slt, %sub3A_730, %sign3A_1341 : i32
        %sign3A_1343 = arith.extui %sign3A_1342 : i1 to i32
        %sign3A_1344 = arith.subi %sign3A_1340, %sign3A_1343 : i32
        %sign3A_1345 = arith.constant 0 : i32
        %sign3A_1346 = arith.cmpi sgt, %jit3A_1336, %sign3A_1345 : i32
        %sign3A_1347 = arith.extui %sign3A_1346 : i1 to i32
        %sign3A_1348 = arith.constant 0 : i32
        %sign3A_1349 = arith.cmpi slt, %jit3A_1336, %sign3A_1348 : i32
        %sign3A_1350 = arith.extui %sign3A_1349 : i1 to i32
        %sign3A_1351 = arith.subi %sign3A_1347, %sign3A_1350 : i32
        %ne3A_1352 = arith.cmpi ne, %sign3A_1344, %sign3A_1351 : i32
        %rem3A_1353 = arith.remsi %sub3A_730, %jit3A_1336 : i32
        %ne3A_1354 = arith.constant 0 : i32
        %ne3A_1355 = arith.cmpi ne, %rem3A_1353, %ne3A_1354 : i32
        %and3A_1356 = arith.andi %ne3A_1352, %ne3A_1355 : i1
        %sub3A_1357 = arith.constant 1 : i32
        %sub3A_1358 = arith.subi %div3A_1337, %sub3A_1357 : i32
        %select_n3A_1359 = arith.select %and3A_1356, %sub3A_1358, %div3A_1337 : i32
        %jit3A_1360 = arith.constant 8 : i32
        %eq3A_1361 = arith.constant 0 : i32
        %eq3A_1362 = arith.cmpi eq, %jit3A_1360, %eq3A_1361 : i32
        %jit3A_1363 = arith.constant 1 : i32
        %select_n3A_1364 = arith.select %eq3A_1362, %jit3A_1363, %jit3A_1360 : i32
        %rem3A_1365 = arith.remsi %sub3A_730, %select_n3A_1364 : i32
        %ne3A_1366 = arith.constant 0 : i32
        %ne3A_1367 = arith.cmpi ne, %rem3A_1365, %ne3A_1366 : i32
        %lt3A_1368 = arith.constant 0 : i32
        %lt3A_1369 = arith.cmpi slt, %rem3A_1365, %lt3A_1368 : i32
        %lt3A_1370 = arith.constant 0 : i32
        %lt3A_1371 = arith.cmpi slt, %select_n3A_1364, %lt3A_1370 : i32
        %ne3A_1372 = arith.xori %lt3A_1369, %lt3A_1371 : i1
        %and3A_1373 = arith.andi %ne3A_1372, %ne3A_1367 : i1
        %add3A_1374 = arith.addi %rem3A_1365, %select_n3A_1364 : i32
        %select_n3A_1375 = arith.select %and3A_1373, %add3A_1374, %rem3A_1365 : i32
        %jit3A_1376 = arith.constant 2 : i32
        %eq3A_1377 = arith.constant 0 : i32
        %eq3A_1378 = arith.cmpi eq, %jit3A_1376, %eq3A_1377 : i32
        %jit3A_1379 = arith.constant 1 : i32
        %select_n3A_1380 = arith.select %eq3A_1378, %jit3A_1379, %jit3A_1376 : i32
        %rem3A_1381 = arith.remsi %select_n3A_1359, %select_n3A_1380 : i32
        %ne3A_1382 = arith.constant 0 : i32
        %ne3A_1383 = arith.cmpi ne, %rem3A_1381, %ne3A_1382 : i32
        %lt3A_1384 = arith.constant 0 : i32
        %lt3A_1385 = arith.cmpi slt, %rem3A_1381, %lt3A_1384 : i32
        %lt3A_1386 = arith.constant 0 : i32
        %lt3A_1387 = arith.cmpi slt, %select_n3A_1380, %lt3A_1386 : i32
        %ne3A_1388 = arith.xori %lt3A_1385, %lt3A_1387 : i1
        %and3A_1389 = arith.andi %ne3A_1388, %ne3A_1383 : i1
        %add3A_1390 = arith.addi %rem3A_1381, %select_n3A_1380 : i32
        %select_n3A_1391 = arith.select %and3A_1389, %add3A_1390, %rem3A_1381 : i32
        %mul3A_1392 = arith.constant 512 : i32
        %mul3A_1393 = arith.muli %select_n3A_1375, %mul3A_1392 : i32
        %jit3A_1394 = arith.constant 4 : i32
        %eq3A_1395 = arith.constant 0 : i32
        %eq3A_1396 = arith.cmpi eq, %jit3A_1394, %eq3A_1395 : i32
        %jit3A_1397 = arith.constant 1 : i32
        %select_n3A_1398 = arith.select %eq3A_1396, %jit3A_1397, %jit3A_1394 : i32
        %rem3A_1399 = arith.remsi %sub3A_730, %select_n3A_1398 : i32
        %ne3A_1400 = arith.constant 0 : i32
        %ne3A_1401 = arith.cmpi ne, %rem3A_1399, %ne3A_1400 : i32
        %lt3A_1402 = arith.constant 0 : i32
        %lt3A_1403 = arith.cmpi slt, %rem3A_1399, %lt3A_1402 : i32
        %lt3A_1404 = arith.constant 0 : i32
        %lt3A_1405 = arith.cmpi slt, %select_n3A_1398, %lt3A_1404 : i32
        %ne3A_1406 = arith.xori %lt3A_1403, %lt3A_1405 : i1
        %and3A_1407 = arith.andi %ne3A_1406, %ne3A_1401 : i1
        %add3A_1408 = arith.addi %rem3A_1399, %select_n3A_1398 : i32
        %select_n3A_1409 = arith.select %and3A_1407, %add3A_1408, %rem3A_1399 : i32
        %jit3A_1410 = arith.constant 4 : i32
        %eq3A_1411 = arith.constant 0 : i32
        %eq3A_1412 = arith.cmpi eq, %jit3A_1410, %eq3A_1411 : i32
        %jit3A_1413 = arith.constant 1 : i32
        %select_n3A_1414 = arith.select %eq3A_1412, %jit3A_1413, %jit3A_1410 : i32
        %rem3A_1415 = arith.remsi %sub3A_730, %select_n3A_1414 : i32
        %ne3A_1416 = arith.constant 0 : i32
        %ne3A_1417 = arith.cmpi ne, %rem3A_1415, %ne3A_1416 : i32
        %lt3A_1418 = arith.constant 0 : i32
        %lt3A_1419 = arith.cmpi slt, %rem3A_1415, %lt3A_1418 : i32
        %lt3A_1420 = arith.constant 0 : i32
        %lt3A_1421 = arith.cmpi slt, %select_n3A_1414, %lt3A_1420 : i32
        %ne3A_1422 = arith.xori %lt3A_1419, %lt3A_1421 : i1
        %and3A_1423 = arith.andi %ne3A_1422, %ne3A_1417 : i1
        %add3A_1424 = arith.addi %rem3A_1415, %select_n3A_1414 : i32
        %select_n3A_1425 = arith.select %and3A_1423, %add3A_1424, %rem3A_1415 : i32
        %dma_start3A_1426 = arith.constant 0 : i32
        %dma_start3A_1427 = arith.constant 0 : i32
        %dma_start3A_1428 = tpu.memref_slice %arg6[%select_n3A_1409, %dma_start3A_1426, %dma_start3A_1427] : memref<4x512x32xf32, #tpu.memory_space<vmem>> -> memref<1x512x32xf32, #tpu.memory_space<vmem>>
        %dma_start3A_1429 = tpu.memref_squeeze %dma_start3A_1428 : memref<1x512x32xf32, #tpu.memory_space<vmem>> -> memref<512x32xf32, #tpu.memory_space<vmem>>
        %dma_start3A_1430 = tpu.memref_slice %arg5[%select_n3A_1391, %mul3A_1393] : memref<2x4096xi32, #tpu.memory_space<vmem>> -> memref<1x512xi32, #tpu.memory_space<vmem>>
        %dma_start3A_1431 = tpu.memref_squeeze %dma_start3A_1430 : memref<1x512xi32, #tpu.memory_space<vmem>> -> memref<512xi32, #tpu.memory_space<vmem>>
        %dma_start3A_1432 = arith.constant 0 : i32
        %dma_start3A_1433 = arith.constant 0 : i32
        %dma_start3A_1434 = tpu.memref_slice %arg3[%dma_start3A_1432, %dma_start3A_1433] : memref<1000000x32xf32, #tpu.memory_space<hbm>> -> memref<1000000x32xf32, #tpu.memory_space<hbm>>
        %dma_start3A_1435 = tpu.memref_slice %arg9[%select_n3A_1425] : memref<4x!tpu.dma_semaphore, #tpu.memory_space<semaphore_mem>> -> memref<1x!tpu.dma_semaphore, #tpu.memory_space<semaphore_mem>>
        %dma_start3A_1436 = tpu.memref_squeeze %dma_start3A_1435 : memref<1x!tpu.dma_semaphore, #tpu.memory_space<semaphore_mem>> -> memref<!tpu.dma_semaphore, #tpu.memory_space<semaphore_mem>>
        tpu.enqueue_indirect_dma source(%dma_start3A_1434 : memref<1000000x32xf32, #tpu.memory_space<hbm>>) target(%dma_start3A_1429 : memref<512x32xf32, #tpu.memory_space<vmem>>) offsets(%dma_start3A_1431 : memref<512xi32, #tpu.memory_space<vmem>>) semaphore(%dma_start3A_1436 : memref<!tpu.dma_semaphore, #tpu.memory_space<semaphore_mem>>)
      } else {
      }
      %jit3A_782 = arith.constant 4 : i32
      %eq3A_783 = arith.constant 0 : i32
      %eq3A_784 = arith.cmpi eq, %jit3A_782, %eq3A_783 : i32
      %jit3A_785 = arith.constant 1 : i32
      %select_n3A_786 = arith.select %eq3A_784, %jit3A_785, %jit3A_782 : i32
      %rem3A_787 = arith.remsi %scan3A_709, %select_n3A_786 : i32
      %ne3A_788 = arith.constant 0 : i32
      %ne3A_789 = arith.cmpi ne, %rem3A_787, %ne3A_788 : i32
      %lt3A_790 = arith.constant 0 : i32
      %lt3A_791 = arith.cmpi slt, %rem3A_787, %lt3A_790 : i32
      %lt3A_792 = arith.constant 0 : i32
      %lt3A_793 = arith.cmpi slt, %select_n3A_786, %lt3A_792 : i32
      %ne3A_794 = arith.xori %lt3A_791, %lt3A_793 : i1
      %and3A_795 = arith.andi %ne3A_794, %ne3A_789 : i1
      %add3A_796 = arith.addi %rem3A_787, %select_n3A_786 : i32
      %select_n3A_797 = arith.select %and3A_795, %add3A_796, %rem3A_787 : i32
      %jit3A_798 = arith.constant 4 : i32
      %eq3A_799 = arith.constant 0 : i32
      %eq3A_800 = arith.cmpi eq, %jit3A_798, %eq3A_799 : i32
      %jit3A_801 = arith.constant 1 : i32
      %select_n3A_802 = arith.select %eq3A_800, %jit3A_801, %jit3A_798 : i32
      %rem3A_803 = arith.remsi %scan3A_709, %select_n3A_802 : i32
      %ne3A_804 = arith.constant 0 : i32
      %ne3A_805 = arith.cmpi ne, %rem3A_803, %ne3A_804 : i32
      %lt3A_806 = arith.constant 0 : i32
      %lt3A_807 = arith.cmpi slt, %rem3A_803, %lt3A_806 : i32
      %lt3A_808 = arith.constant 0 : i32
      %lt3A_809 = arith.cmpi slt, %select_n3A_802, %lt3A_808 : i32
      %ne3A_810 = arith.xori %lt3A_807, %lt3A_809 : i1
      %and3A_811 = arith.andi %ne3A_810, %ne3A_805 : i1
      %add3A_812 = arith.addi %rem3A_803, %select_n3A_802 : i32
      %select_n3A_813 = arith.select %and3A_811, %add3A_812, %rem3A_803 : i32
      %dma_wait3A_814 = arith.constant 0 : i32
      %dma_wait3A_815 = arith.constant 0 : i32
      %dma_wait3A_816 = arith.constant 0 : i32
      %dma_wait3A_817 = tpu.memref_slice %arg6[%select_n3A_797, %dma_wait3A_815, %dma_wait3A_816] : memref<4x512x32xf32, #tpu.memory_space<vmem>> -> memref<1x512x32xf32, #tpu.memory_space<vmem>>
      %dma_wait3A_818 = tpu.memref_squeeze %dma_wait3A_817 : memref<1x512x32xf32, #tpu.memory_space<vmem>> -> memref<512x32xf32, #tpu.memory_space<vmem>>
      %dma_wait3A_819 = arith.constant 0 : i32
      %dma_wait3A_820 = tpu.memref_slice %arg5[%dma_wait3A_814, %dma_wait3A_819] : memref<2x4096xi32, #tpu.memory_space<vmem>> -> memref<1x512xi32, #tpu.memory_space<vmem>>
      %dma_wait3A_821 = tpu.memref_squeeze %dma_wait3A_820 : memref<1x512xi32, #tpu.memory_space<vmem>> -> memref<512xi32, #tpu.memory_space<vmem>>
      %dma_wait3A_822 = arith.constant 0 : i32
      %dma_wait3A_823 = arith.constant 0 : i32
      %dma_wait3A_824 = tpu.memref_slice %arg3[%dma_wait3A_822, %dma_wait3A_823] : memref<1000000x32xf32, #tpu.memory_space<hbm>> -> memref<1000000x32xf32, #tpu.memory_space<hbm>>
      %dma_wait3A_825 = tpu.memref_slice %arg9[%select_n3A_813] : memref<4x!tpu.dma_semaphore, #tpu.memory_space<semaphore_mem>> -> memref<1x!tpu.dma_semaphore, #tpu.memory_space<semaphore_mem>>
      %dma_wait3A_826 = tpu.memref_squeeze %dma_wait3A_825 : memref<1x!tpu.dma_semaphore, #tpu.memory_space<semaphore_mem>> -> memref<!tpu.dma_semaphore, #tpu.memory_space<semaphore_mem>>
      tpu.wait_indirect_dma semaphore(%dma_wait3A_826 : memref<!tpu.dma_semaphore, #tpu.memory_space<semaphore_mem>>) src(%dma_wait3A_824 : memref<1000000x32xf32, #tpu.memory_space<hbm>>) dst(%dma_wait3A_818 : memref<512x32xf32, #tpu.memory_space<vmem>>)
      %add3A_827 = arith.constant 1 : i32
      %add3A_828 = arith.addi %scan3A_709, %add3A_827 : i32
      %jit3A_829 = arith.constant 8 : i32
      %eq3A_830 = arith.constant 0 : i32
      %eq3A_831 = arith.cmpi eq, %jit3A_829, %eq3A_830 : i32
      %jit3A_832 = arith.constant 1 : i32
      %select_n3A_833 = arith.select %eq3A_831, %jit3A_832, %jit3A_829 : i32
      %rem3A_834 = arith.remsi %add3A_828, %select_n3A_833 : i32
      %ne3A_835 = arith.constant 0 : i32
      %ne3A_836 = arith.cmpi ne, %rem3A_834, %ne3A_835 : i32
      %lt3A_837 = arith.constant 0 : i32
      %lt3A_838 = arith.cmpi slt, %rem3A_834, %lt3A_837 : i32
      %lt3A_839 = arith.constant 0 : i32
      %lt3A_840 = arith.cmpi slt, %select_n3A_833, %lt3A_839 : i32
      %ne3A_841 = arith.xori %lt3A_838, %lt3A_840 : i1
      %and3A_842 = arith.andi %ne3A_841, %ne3A_836 : i1
      %add3A_843 = arith.addi %rem3A_834, %select_n3A_833 : i32
      %select_n3A_844 = arith.select %and3A_842, %add3A_843, %rem3A_834 : i32
      %eq3A_845 = arith.constant 0 : i32
      %eq3A_846 = arith.cmpi eq, %select_n3A_844, %eq3A_845 : i32
      %add3A_847 = arith.constant 1 : i32
      %add3A_848 = arith.addi %scan3A_709, %add3A_847 : i32
      %jit3A_849 = arith.constant 8 : i32
      %div3A_850 = arith.divsi %add3A_848, %jit3A_849 : i32
      %sign3A_851 = arith.constant 0 : i32
      %sign3A_852 = arith.cmpi sgt, %add3A_848, %sign3A_851 : i32
      %sign3A_853 = arith.extui %sign3A_852 : i1 to i32
      %sign3A_854 = arith.constant 0 : i32
      %sign3A_855 = arith.cmpi slt, %add3A_848, %sign3A_854 : i32
      %sign3A_856 = arith.extui %sign3A_855 : i1 to i32
      %sign3A_857 = arith.subi %sign3A_853, %sign3A_856 : i32
      %sign3A_858 = arith.constant 0 : i32
      %sign3A_859 = arith.cmpi sgt, %jit3A_849, %sign3A_858 : i32
      %sign3A_860 = arith.extui %sign3A_859 : i1 to i32
      %sign3A_861 = arith.constant 0 : i32
      %sign3A_862 = arith.cmpi slt, %jit3A_849, %sign3A_861 : i32
      %sign3A_863 = arith.extui %sign3A_862 : i1 to i32
      %sign3A_864 = arith.subi %sign3A_860, %sign3A_863 : i32
      %ne3A_865 = arith.cmpi ne, %sign3A_857, %sign3A_864 : i32
      %rem3A_866 = arith.remsi %add3A_848, %jit3A_849 : i32
      %ne3A_867 = arith.constant 0 : i32
      %ne3A_868 = arith.cmpi ne, %rem3A_866, %ne3A_867 : i32
      %and3A_869 = arith.andi %ne3A_865, %ne3A_868 : i1
      %sub3A_870 = arith.constant 1 : i32
      %sub3A_871 = arith.subi %div3A_850, %sub3A_870 : i32
      %select_n3A_872 = arith.select %and3A_869, %sub3A_871, %div3A_850 : i32
      %add3A_873 = arith.constant 1 : i32
      %add3A_874 = arith.addi %select_n3A_872, %add3A_873 : i32
      %lt3A_875 = arith.constant 25 : i32
      %lt3A_876 = arith.cmpi slt, %add3A_874, %lt3A_875 : i32
      %and3A_877 = arith.andi %eq3A_846, %lt3A_876 : i1
      %convert_element_type3A_878 = arith.extui %and3A_877 : i1 to i32
      %cond3A_879 = arith.constant 0 : i32
      %cond3A_880 = arith.cmpi ne, %convert_element_type3A_878, %cond3A_879 : i32
      scf.if %cond3A_880 {
        %add3A_1336 = arith.constant 1 : i32
        %add3A_1337 = arith.addi %select_n3A_872, %add3A_1336 : i32
        %add3A_1338 = arith.addi %mul3A_2, %add3A_1337 : i32
        %jit3A_1339 = arith.constant 4 : i32
        %div3A_1340 = arith.divsi %add3A_1338, %jit3A_1339 : i32
        %sign3A_1341 = arith.constant 0 : i32
        %sign3A_1342 = arith.cmpi sgt, %add3A_1338, %sign3A_1341 : i32
        %sign3A_1343 = arith.extui %sign3A_1342 : i1 to i32
        %sign3A_1344 = arith.constant 0 : i32
        %sign3A_1345 = arith.cmpi slt, %add3A_1338, %sign3A_1344 : i32
        %sign3A_1346 = arith.extui %sign3A_1345 : i1 to i32
        %sign3A_1347 = arith.subi %sign3A_1343, %sign3A_1346 : i32
        %sign3A_1348 = arith.constant 0 : i32
        %sign3A_1349 = arith.cmpi sgt, %jit3A_1339, %sign3A_1348 : i32
        %sign3A_1350 = arith.extui %sign3A_1349 : i1 to i32
        %sign3A_1351 = arith.constant 0 : i32
        %sign3A_1352 = arith.cmpi slt, %jit3A_1339, %sign3A_1351 : i32
        %sign3A_1353 = arith.extui %sign3A_1352 : i1 to i32
        %sign3A_1354 = arith.subi %sign3A_1350, %sign3A_1353 : i32
        %ne3A_1355 = arith.cmpi ne, %sign3A_1347, %sign3A_1354 : i32
        %rem3A_1356 = arith.remsi %add3A_1338, %jit3A_1339 : i32
        %ne3A_1357 = arith.constant 0 : i32
        %ne3A_1358 = arith.cmpi ne, %rem3A_1356, %ne3A_1357 : i32
        %and3A_1359 = arith.andi %ne3A_1355, %ne3A_1358 : i1
        %sub3A_1360 = arith.constant 1 : i32
        %sub3A_1361 = arith.subi %div3A_1340, %sub3A_1360 : i32
        %select_n3A_1362 = arith.select %and3A_1359, %sub3A_1361, %div3A_1340 : i32
        %jit3A_1363 = arith.constant 4 : i32
        %eq3A_1364 = arith.constant 0 : i32
        %eq3A_1365 = arith.cmpi eq, %jit3A_1363, %eq3A_1364 : i32
        %jit3A_1366 = arith.constant 1 : i32
        %select_n3A_1367 = arith.select %eq3A_1365, %jit3A_1366, %jit3A_1363 : i32
        %rem3A_1368 = arith.remsi %add3A_1338, %select_n3A_1367 : i32
        %ne3A_1369 = arith.constant 0 : i32
        %ne3A_1370 = arith.cmpi ne, %rem3A_1368, %ne3A_1369 : i32
        %lt3A_1371 = arith.constant 0 : i32
        %lt3A_1372 = arith.cmpi slt, %rem3A_1368, %lt3A_1371 : i32
        %lt3A_1373 = arith.constant 0 : i32
        %lt3A_1374 = arith.cmpi slt, %select_n3A_1367, %lt3A_1373 : i32
        %ne3A_1375 = arith.xori %lt3A_1372, %lt3A_1374 : i1
        %and3A_1376 = arith.andi %ne3A_1375, %ne3A_1370 : i1
        %add3A_1377 = arith.addi %rem3A_1368, %select_n3A_1367 : i32
        %select_n3A_1378 = arith.select %and3A_1376, %add3A_1377, %rem3A_1368 : i32
        %mul3A_1379 = arith.constant 4096 : i32
        %mul3A_1380 = arith.muli %select_n3A_1378, %mul3A_1379 : i32
        %jit3A_1381 = arith.constant 2 : i32
        %eq3A_1382 = arith.constant 0 : i32
        %eq3A_1383 = arith.cmpi eq, %jit3A_1381, %eq3A_1382 : i32
        %jit3A_1384 = arith.constant 1 : i32
        %select_n3A_1385 = arith.select %eq3A_1383, %jit3A_1384, %jit3A_1381 : i32
        %rem3A_1386 = arith.remsi %add3A_1337, %select_n3A_1385 : i32
        %ne3A_1387 = arith.constant 0 : i32
        %ne3A_1388 = arith.cmpi ne, %rem3A_1386, %ne3A_1387 : i32
        %lt3A_1389 = arith.constant 0 : i32
        %lt3A_1390 = arith.cmpi slt, %rem3A_1386, %lt3A_1389 : i32
        %lt3A_1391 = arith.constant 0 : i32
        %lt3A_1392 = arith.cmpi slt, %select_n3A_1385, %lt3A_1391 : i32
        %ne3A_1393 = arith.xori %lt3A_1390, %lt3A_1392 : i1
        %and3A_1394 = arith.andi %ne3A_1393, %ne3A_1388 : i1
        %add3A_1395 = arith.addi %rem3A_1386, %select_n3A_1385 : i32
        %select_n3A_1396 = arith.select %and3A_1394, %add3A_1395, %rem3A_1386 : i32
        %dma_start3A_1397 = arith.constant 0 : i32
        %dma_start3A_1398 = tpu.memref_slice %arg5[%select_n3A_1396, %dma_start3A_1397] : memref<2x4096xi32, #tpu.memory_space<vmem>> -> memref<1x4096xi32, #tpu.memory_space<vmem>>
        %dma_start3A_1399 = tpu.memref_squeeze %dma_start3A_1398 : memref<1x4096xi32, #tpu.memory_space<vmem>> -> memref<4096xi32, #tpu.memory_space<vmem>>
        %dma_start3A_1400 = tpu.memref_slice %arg2[%select_n3A_1362, %mul3A_1380] : memref<200x16384xi32, #tpu.memory_space<hbm>> -> memref<1x4096xi32, #tpu.memory_space<hbm>>
        %dma_start3A_1401 = tpu.memref_squeeze %dma_start3A_1400 : memref<1x4096xi32, #tpu.memory_space<hbm>> -> memref<4096xi32, #tpu.memory_space<hbm>>
        %dma_start3A_1402 = arith.constant 0 : i32
        %dma_start3A_1403 = tpu.memref_slice %arg5[%select_n3A_1396, %dma_start3A_1402] : memref<2x4096xi32, #tpu.memory_space<vmem>> -> memref<1x4096xi32, #tpu.memory_space<vmem>>
        %dma_start3A_1404 = tpu.memref_squeeze %dma_start3A_1403 : memref<1x4096xi32, #tpu.memory_space<vmem>> -> memref<4096xi32, #tpu.memory_space<vmem>>
        %dma_start3A_1405 = tpu.memref_slice %arg2[%select_n3A_1362, %mul3A_1380] : memref<200x16384xi32, #tpu.memory_space<hbm>> -> memref<1x4096xi32, #tpu.memory_space<hbm>>
        %dma_start3A_1406 = tpu.memref_squeeze %dma_start3A_1405 : memref<1x4096xi32, #tpu.memory_space<hbm>> -> memref<4096xi32, #tpu.memory_space<hbm>>
        tpu.enqueue_dma source(%dma_start3A_1406 : memref<4096xi32, #tpu.memory_space<hbm>>) target(%dma_start3A_1404 : memref<4096xi32, #tpu.memory_space<vmem>>) target_semaphore(%arg8 : memref<!tpu.dma_semaphore, #tpu.memory_space<semaphore_mem>>)
      } else {
      }
      %ge3A = arith.constant 2 : i32
      %ge3A_881 = arith.cmpi sge, %scan3A_709, %ge3A : i32
      %convert_element_type3A_882 = arith.extui %ge3A_881 : i1 to i32
      %cond3A_883 = arith.constant 0 : i32
      %cond3A_884 = arith.cmpi ne, %convert_element_type3A_882, %cond3A_883 : i32
      scf.if %cond3A_884 {
        %jit3A_1336 = arith.constant 8 : i32
        %div3A_1337 = arith.divsi %scan3A_709, %jit3A_1336 : i32
        %sign3A_1338 = arith.constant 0 : i32
        %sign3A_1339 = arith.cmpi sgt, %scan3A_709, %sign3A_1338 : i32
        %sign3A_1340 = arith.extui %sign3A_1339 : i1 to i32
        %sign3A_1341 = arith.constant 0 : i32
        %sign3A_1342 = arith.cmpi slt, %scan3A_709, %sign3A_1341 : i32
        %sign3A_1343 = arith.extui %sign3A_1342 : i1 to i32
        %sign3A_1344 = arith.subi %sign3A_1340, %sign3A_1343 : i32
        %sign3A_1345 = arith.constant 0 : i32
        %sign3A_1346 = arith.cmpi sgt, %jit3A_1336, %sign3A_1345 : i32
        %sign3A_1347 = arith.extui %sign3A_1346 : i1 to i32
        %sign3A_1348 = arith.constant 0 : i32
        %sign3A_1349 = arith.cmpi slt, %jit3A_1336, %sign3A_1348 : i32
        %sign3A_1350 = arith.extui %sign3A_1349 : i1 to i32
        %sign3A_1351 = arith.subi %sign3A_1347, %sign3A_1350 : i32
        %ne3A_1352 = arith.cmpi ne, %sign3A_1344, %sign3A_1351 : i32
        %rem3A_1353 = arith.remsi %scan3A_709, %jit3A_1336 : i32
        %ne3A_1354 = arith.constant 0 : i32
        %ne3A_1355 = arith.cmpi ne, %rem3A_1353, %ne3A_1354 : i32
        %and3A_1356 = arith.andi %ne3A_1352, %ne3A_1355 : i1
        %sub3A_1357 = arith.constant 1 : i32
        %sub3A_1358 = arith.subi %div3A_1337, %sub3A_1357 : i32
        %select_n3A_1359 = arith.select %and3A_1356, %sub3A_1358, %div3A_1337 : i32
        %jit3A_1360 = arith.constant 8 : i32
        %eq3A_1361 = arith.constant 0 : i32
        %eq3A_1362 = arith.cmpi eq, %jit3A_1360, %eq3A_1361 : i32
        %jit3A_1363 = arith.constant 1 : i32
        %select_n3A_1364 = arith.select %eq3A_1362, %jit3A_1363, %jit3A_1360 : i32
        %rem3A_1365 = arith.remsi %scan3A_709, %select_n3A_1364 : i32
        %ne3A_1366 = arith.constant 0 : i32
        %ne3A_1367 = arith.cmpi ne, %rem3A_1365, %ne3A_1366 : i32
        %lt3A_1368 = arith.constant 0 : i32
        %lt3A_1369 = arith.cmpi slt, %rem3A_1365, %lt3A_1368 : i32
        %lt3A_1370 = arith.constant 0 : i32
        %lt3A_1371 = arith.cmpi slt, %select_n3A_1364, %lt3A_1370 : i32
        %ne3A_1372 = arith.xori %lt3A_1369, %lt3A_1371 : i1
        %and3A_1373 = arith.andi %ne3A_1372, %ne3A_1367 : i1
        %add3A_1374 = arith.addi %rem3A_1365, %select_n3A_1364 : i32
        %select_n3A_1375 = arith.select %and3A_1373, %add3A_1374, %rem3A_1365 : i32
        %add3A_1376 = arith.addi %mul3A_2, %select_n3A_1359 : i32
        %jit3A_1377 = arith.constant 4 : i32
        %div3A_1378 = arith.divsi %add3A_1376, %jit3A_1377 : i32
        %sign3A_1379 = arith.constant 0 : i32
        %sign3A_1380 = arith.cmpi sgt, %add3A_1376, %sign3A_1379 : i32
        %sign3A_1381 = arith.extui %sign3A_1380 : i1 to i32
        %sign3A_1382 = arith.constant 0 : i32
        %sign3A_1383 = arith.cmpi slt, %add3A_1376, %sign3A_1382 : i32
        %sign3A_1384 = arith.extui %sign3A_1383 : i1 to i32
        %sign3A_1385 = arith.subi %sign3A_1381, %sign3A_1384 : i32
        %sign3A_1386 = arith.constant 0 : i32
        %sign3A_1387 = arith.cmpi sgt, %jit3A_1377, %sign3A_1386 : i32
        %sign3A_1388 = arith.extui %sign3A_1387 : i1 to i32
        %sign3A_1389 = arith.constant 0 : i32
        %sign3A_1390 = arith.cmpi slt, %jit3A_1377, %sign3A_1389 : i32
        %sign3A_1391 = arith.extui %sign3A_1390 : i1 to i32
        %sign3A_1392 = arith.subi %sign3A_1388, %sign3A_1391 : i32
        %ne3A_1393 = arith.cmpi ne, %sign3A_1385, %sign3A_1392 : i32
        %rem3A_1394 = arith.remsi %add3A_1376, %jit3A_1377 : i32
        %ne3A_1395 = arith.constant 0 : i32
        %ne3A_1396 = arith.cmpi ne, %rem3A_1394, %ne3A_1395 : i32
        %and3A_1397 = arith.andi %ne3A_1393, %ne3A_1396 : i1
        %sub3A_1398 = arith.constant 1 : i32
        %sub3A_1399 = arith.subi %div3A_1378, %sub3A_1398 : i32
        %select_n3A_1400 = arith.select %and3A_1397, %sub3A_1399, %div3A_1378 : i32
        %jit3A_1401 = arith.constant 4 : i32
        %eq3A_1402 = arith.constant 0 : i32
        %eq3A_1403 = arith.cmpi eq, %jit3A_1401, %eq3A_1402 : i32
        %jit3A_1404 = arith.constant 1 : i32
        %select_n3A_1405 = arith.select %eq3A_1403, %jit3A_1404, %jit3A_1401 : i32
        %rem3A_1406 = arith.remsi %add3A_1376, %select_n3A_1405 : i32
        %ne3A_1407 = arith.constant 0 : i32
        %ne3A_1408 = arith.cmpi ne, %rem3A_1406, %ne3A_1407 : i32
        %lt3A_1409 = arith.constant 0 : i32
        %lt3A_1410 = arith.cmpi slt, %rem3A_1406, %lt3A_1409 : i32
        %lt3A_1411 = arith.constant 0 : i32
        %lt3A_1412 = arith.cmpi slt, %select_n3A_1405, %lt3A_1411 : i32
        %ne3A_1413 = arith.xori %lt3A_1410, %lt3A_1412 : i1
        %and3A_1414 = arith.andi %ne3A_1413, %ne3A_1408 : i1
        %add3A_1415 = arith.addi %rem3A_1406, %select_n3A_1405 : i32
        %select_n3A_1416 = arith.select %and3A_1414, %add3A_1415, %rem3A_1406 : i32
        %mul3A_1417 = arith.constant 32 : i32
        %mul3A_1418 = arith.muli %select_n3A_1416, %mul3A_1417 : i32
        %mul3A_1419 = arith.constant 4 : i32
        %mul3A_1420 = arith.muli %select_n3A_1375, %mul3A_1419 : i32
        %add3A_1421 = arith.addi %mul3A_1418, %mul3A_1420 : i32
        %dma_wait3A_1422 = arith.constant 0 : i32
        %dma_wait3A_1423 = arith.constant 0 : i32
        %dma_wait3A_1424 = arith.constant 0 : i32
        %dma_wait3A_1425 = arith.constant 0 : i32
        %dma_wait3A_1426 = arith.constant 0 : i32
        %dma_wait3A_1427 = tpu.memref_slice %arg7[%select_n3A_726, %dma_wait3A_1422, %dma_wait3A_1424, %dma_wait3A_1425, %dma_wait3A_1426] : memref<2x4x4x8x129xf32, #tpu.memory_space<vmem>> -> memref<1x1x4x8x128xf32, #tpu.memory_space<vmem>>
        %dma_wait3A_1428 = tpu.memref_squeeze %dma_wait3A_1427 : memref<1x1x4x8x128xf32, #tpu.memory_space<vmem>> -> memref<4x8x128xf32, #tpu.memory_space<vmem>>
        %dma_wait3A_1429 = arith.constant 0 : i32
        %dma_wait3A_1430 = arith.constant 0 : i32
        %dma_wait3A_1431 = tpu.memref_slice %arg4[%select_n3A_1400, %dma_wait3A_1423, %add3A_1421, %dma_wait3A_1429, %dma_wait3A_1430] : memref<200x4x128x8x128xf32, #tpu.memory_space<hbm>> -> memref<1x1x4x8x128xf32, #tpu.memory_space<hbm>>
        %dma_wait3A_1432 = tpu.memref_squeeze %dma_wait3A_1431 : memref<1x1x4x8x128xf32, #tpu.memory_space<hbm>> -> memref<4x8x128xf32, #tpu.memory_space<hbm>>
        %dma_wait3A_1433 = tpu.memref_slice %arg10[%select_n3A_726] : memref<2x!tpu.dma_semaphore, #tpu.memory_space<semaphore_mem>> -> memref<1x!tpu.dma_semaphore, #tpu.memory_space<semaphore_mem>>
        %dma_wait3A_1434 = tpu.memref_squeeze %dma_wait3A_1433 : memref<1x!tpu.dma_semaphore, #tpu.memory_space<semaphore_mem>> -> memref<!tpu.dma_semaphore, #tpu.memory_space<semaphore_mem>>
        %dma_wait3A_1435 = arith.constant 0 : i32
        %dma_wait3A_1436 = arith.constant 0 : i32
        %dma_wait3A_1437 = tpu.memref_slice %arg4[%select_n3A_1400, %dma_wait3A_1423, %add3A_1421, %dma_wait3A_1435, %dma_wait3A_1436] : memref<200x4x128x8x128xf32, #tpu.memory_space<hbm>> -> memref<1x1x4x8x128xf32, #tpu.memory_space<hbm>>
        %dma_wait3A_1438 = tpu.memref_squeeze %dma_wait3A_1437 : memref<1x1x4x8x128xf32, #tpu.memory_space<hbm>> -> memref<4x8x128xf32, #tpu.memory_space<hbm>>
        %dma_wait3A_1439 = arith.constant 0 : i32
        %dma_wait3A_1440 = arith.constant 0 : i32
        %dma_wait3A_1441 = arith.constant 0 : i32
        %dma_wait3A_1442 = tpu.memref_slice %arg7[%select_n3A_726, %dma_wait3A_1422, %dma_wait3A_1439, %dma_wait3A_1440, %dma_wait3A_1441] : memref<2x4x4x8x129xf32, #tpu.memory_space<vmem>> -> memref<1x1x4x8x128xf32, #tpu.memory_space<vmem>>
        %dma_wait3A_1443 = tpu.memref_squeeze %dma_wait3A_1442 : memref<1x1x4x8x128xf32, #tpu.memory_space<vmem>> -> memref<4x8x128xf32, #tpu.memory_space<vmem>>
        tpu.wait_dma2 semaphore(%dma_wait3A_1434 : memref<!tpu.dma_semaphore, #tpu.memory_space<semaphore_mem>>) src(%dma_wait3A_1443 : memref<4x8x128xf32, #tpu.memory_space<vmem>>) dst(%dma_wait3A_1438 : memref<4x8x128xf32, #tpu.memory_space<hbm>>)
        %jit3A_1444 = arith.constant 8 : i32
        %div3A_1445 = arith.divsi %scan3A_709, %jit3A_1444 : i32
        %sign3A_1446 = arith.constant 0 : i32
        %sign3A_1447 = arith.cmpi sgt, %scan3A_709, %sign3A_1446 : i32
        %sign3A_1448 = arith.extui %sign3A_1447 : i1 to i32
        %sign3A_1449 = arith.constant 0 : i32
        %sign3A_1450 = arith.cmpi slt, %scan3A_709, %sign3A_1449 : i32
        %sign3A_1451 = arith.extui %sign3A_1450 : i1 to i32
        %sign3A_1452 = arith.subi %sign3A_1448, %sign3A_1451 : i32
        %sign3A_1453 = arith.constant 0 : i32
        %sign3A_1454 = arith.cmpi sgt, %jit3A_1444, %sign3A_1453 : i32
        %sign3A_1455 = arith.extui %sign3A_1454 : i1 to i32
        %sign3A_1456 = arith.constant 0 : i32
        %sign3A_1457 = arith.cmpi slt, %jit3A_1444, %sign3A_1456 : i32
        %sign3A_1458 = arith.extui %sign3A_1457 : i1 to i32
        %sign3A_1459 = arith.subi %sign3A_1455, %sign3A_1458 : i32
        %ne3A_1460 = arith.cmpi ne, %sign3A_1452, %sign3A_1459 : i32
        %rem3A_1461 = arith.remsi %scan3A_709, %jit3A_1444 : i32
        %ne3A_1462 = arith.constant 0 : i32
        %ne3A_1463 = arith.cmpi ne, %rem3A_1461, %ne3A_1462 : i32
        %and3A_1464 = arith.andi %ne3A_1460, %ne3A_1463 : i1
        %sub3A_1465 = arith.constant 1 : i32
        %sub3A_1466 = arith.subi %div3A_1445, %sub3A_1465 : i32
        %select_n3A_1467 = arith.select %and3A_1464, %sub3A_1466, %div3A_1445 : i32
        %jit3A_1468 = arith.constant 8 : i32
        %eq3A_1469 = arith.constant 0 : i32
        %eq3A_1470 = arith.cmpi eq, %jit3A_1468, %eq3A_1469 : i32
        %jit3A_1471 = arith.constant 1 : i32
        %select_n3A_1472 = arith.select %eq3A_1470, %jit3A_1471, %jit3A_1468 : i32
        %rem3A_1473 = arith.remsi %scan3A_709, %select_n3A_1472 : i32
        %ne3A_1474 = arith.constant 0 : i32
        %ne3A_1475 = arith.cmpi ne, %rem3A_1473, %ne3A_1474 : i32
        %lt3A_1476 = arith.constant 0 : i32
        %lt3A_1477 = arith.cmpi slt, %rem3A_1473, %lt3A_1476 : i32
        %lt3A_1478 = arith.constant 0 : i32
        %lt3A_1479 = arith.cmpi slt, %select_n3A_1472, %lt3A_1478 : i32
        %ne3A_1480 = arith.xori %lt3A_1477, %lt3A_1479 : i1
        %and3A_1481 = arith.andi %ne3A_1480, %ne3A_1475 : i1
        %add3A_1482 = arith.addi %rem3A_1473, %select_n3A_1472 : i32
        %select_n3A_1483 = arith.select %and3A_1481, %add3A_1482, %rem3A_1473 : i32
        %add3A_1484 = arith.addi %mul3A_2, %select_n3A_1467 : i32
        %jit3A_1485 = arith.constant 4 : i32
        %div3A_1486 = arith.divsi %add3A_1484, %jit3A_1485 : i32
        %sign3A_1487 = arith.constant 0 : i32
        %sign3A_1488 = arith.cmpi sgt, %add3A_1484, %sign3A_1487 : i32
        %sign3A_1489 = arith.extui %sign3A_1488 : i1 to i32
        %sign3A_1490 = arith.constant 0 : i32
        %sign3A_1491 = arith.cmpi slt, %add3A_1484, %sign3A_1490 : i32
        %sign3A_1492 = arith.extui %sign3A_1491 : i1 to i32
        %sign3A_1493 = arith.subi %sign3A_1489, %sign3A_1492 : i32
        %sign3A_1494 = arith.constant 0 : i32
        %sign3A_1495 = arith.cmpi sgt, %jit3A_1485, %sign3A_1494 : i32
        %sign3A_1496 = arith.extui %sign3A_1495 : i1 to i32
        %sign3A_1497 = arith.constant 0 : i32
        %sign3A_1498 = arith.cmpi slt, %jit3A_1485, %sign3A_1497 : i32
        %sign3A_1499 = arith.extui %sign3A_1498 : i1 to i32
        %sign3A_1500 = arith.subi %sign3A_1496, %sign3A_1499 : i32
        %ne3A_1501 = arith.cmpi ne, %sign3A_1493, %sign3A_1500 : i32
        %rem3A_1502 = arith.remsi %add3A_1484, %jit3A_1485 : i32
        %ne3A_1503 = arith.constant 0 : i32
        %ne3A_1504 = arith.cmpi ne, %rem3A_1502, %ne3A_1503 : i32
        %and3A_1505 = arith.andi %ne3A_1501, %ne3A_1504 : i1
        %sub3A_1506 = arith.constant 1 : i32
        %sub3A_1507 = arith.subi %div3A_1486, %sub3A_1506 : i32
        %select_n3A_1508 = arith.select %and3A_1505, %sub3A_1507, %div3A_1486 : i32
        %jit3A_1509 = arith.constant 4 : i32
        %eq3A_1510 = arith.constant 0 : i32
        %eq3A_1511 = arith.cmpi eq, %jit3A_1509, %eq3A_1510 : i32
        %jit3A_1512 = arith.constant 1 : i32
        %select_n3A_1513 = arith.select %eq3A_1511, %jit3A_1512, %jit3A_1509 : i32
        %rem3A_1514 = arith.remsi %add3A_1484, %select_n3A_1513 : i32
        %ne3A_1515 = arith.constant 0 : i32
        %ne3A_1516 = arith.cmpi ne, %rem3A_1514, %ne3A_1515 : i32
        %lt3A_1517 = arith.constant 0 : i32
        %lt3A_1518 = arith.cmpi slt, %rem3A_1514, %lt3A_1517 : i32
        %lt3A_1519 = arith.constant 0 : i32
        %lt3A_1520 = arith.cmpi slt, %select_n3A_1513, %lt3A_1519 : i32
        %ne3A_1521 = arith.xori %lt3A_1518, %lt3A_1520 : i1
        %and3A_1522 = arith.andi %ne3A_1521, %ne3A_1516 : i1
        %add3A_1523 = arith.addi %rem3A_1514, %select_n3A_1513 : i32
        %select_n3A_1524 = arith.select %and3A_1522, %add3A_1523, %rem3A_1514 : i32
        %mul3A_1525 = arith.constant 32 : i32
        %mul3A_1526 = arith.muli %select_n3A_1524, %mul3A_1525 : i32
        %mul3A_1527 = arith.constant 4 : i32
        %mul3A_1528 = arith.muli %select_n3A_1483, %mul3A_1527 : i32
        %add3A_1529 = arith.addi %mul3A_1526, %mul3A_1528 : i32
        %dma_wait3A_1530 = arith.constant 1 : i32
        %dma_wait3A_1531 = arith.constant 1 : i32
        %dma_wait3A_1532 = arith.constant 0 : i32
        %dma_wait3A_1533 = arith.constant 0 : i32
        %dma_wait3A_1534 = arith.constant 0 : i32
        %dma_wait3A_1535 = tpu.memref_slice %arg7[%select_n3A_726, %dma_wait3A_1530, %dma_wait3A_1532, %dma_wait3A_1533, %dma_wait3A_1534] : memref<2x4x4x8x129xf32, #tpu.memory_space<vmem>> -> memref<1x1x4x8x128xf32, #tpu.memory_space<vmem>>
        %dma_wait3A_1536 = tpu.memref_squeeze %dma_wait3A_1535 : memref<1x1x4x8x128xf32, #tpu.memory_space<vmem>> -> memref<4x8x128xf32, #tpu.memory_space<vmem>>
        %dma_wait3A_1537 = arith.constant 0 : i32
        %dma_wait3A_1538 = arith.constant 0 : i32
        %dma_wait3A_1539 = tpu.memref_slice %arg4[%select_n3A_1508, %dma_wait3A_1531, %add3A_1529, %dma_wait3A_1537, %dma_wait3A_1538] : memref<200x4x128x8x128xf32, #tpu.memory_space<hbm>> -> memref<1x1x4x8x128xf32, #tpu.memory_space<hbm>>
        %dma_wait3A_1540 = tpu.memref_squeeze %dma_wait3A_1539 : memref<1x1x4x8x128xf32, #tpu.memory_space<hbm>> -> memref<4x8x128xf32, #tpu.memory_space<hbm>>
        %dma_wait3A_1541 = tpu.memref_slice %arg10[%select_n3A_726] : memref<2x!tpu.dma_semaphore, #tpu.memory_space<semaphore_mem>> -> memref<1x!tpu.dma_semaphore, #tpu.memory_space<semaphore_mem>>
        %dma_wait3A_1542 = tpu.memref_squeeze %dma_wait3A_1541 : memref<1x!tpu.dma_semaphore, #tpu.memory_space<semaphore_mem>> -> memref<!tpu.dma_semaphore, #tpu.memory_space<semaphore_mem>>
        %dma_wait3A_1543 = arith.constant 0 : i32
        %dma_wait3A_1544 = arith.constant 0 : i32
        %dma_wait3A_1545 = tpu.memref_slice %arg4[%select_n3A_1508, %dma_wait3A_1531, %add3A_1529, %dma_wait3A_1543, %dma_wait3A_1544] : memref<200x4x128x8x128xf32, #tpu.memory_space<hbm>> -> memref<1x1x4x8x128xf32, #tpu.memory_space<hbm>>
        %dma_wait3A_1546 = tpu.memref_squeeze %dma_wait3A_1545 : memref<1x1x4x8x128xf32, #tpu.memory_space<hbm>> -> memref<4x8x128xf32, #tpu.memory_space<hbm>>
        %dma_wait3A_1547 = arith.constant 0 : i32
        %dma_wait3A_1548 = arith.constant 0 : i32
        %dma_wait3A_1549 = arith.constant 0 : i32
        %dma_wait3A_1550 = tpu.memref_slice %arg7[%select_n3A_726, %dma_wait3A_1530, %dma_wait3A_1547, %dma_wait3A_1548, %dma_wait3A_1549] : memref<2x4x4x8x129xf32, #tpu.memory_space<vmem>> -> memref<1x1x4x8x128xf32, #tpu.memory_space<vmem>>
        %dma_wait3A_1551 = tpu.memref_squeeze %dma_wait3A_1550 : memref<1x1x4x8x128xf32, #tpu.memory_space<vmem>> -> memref<4x8x128xf32, #tpu.memory_space<vmem>>
        tpu.wait_dma2 semaphore(%dma_wait3A_1542 : memref<!tpu.dma_semaphore, #tpu.memory_space<semaphore_mem>>) src(%dma_wait3A_1551 : memref<4x8x128xf32, #tpu.memory_space<vmem>>) dst(%dma_wait3A_1546 : memref<4x8x128xf32, #tpu.memory_space<hbm>>)
        %jit3A_1552 = arith.constant 8 : i32
        %div3A_1553 = arith.divsi %scan3A_709, %jit3A_1552 : i32
        %sign3A_1554 = arith.constant 0 : i32
        %sign3A_1555 = arith.cmpi sgt, %scan3A_709, %sign3A_1554 : i32
        %sign3A_1556 = arith.extui %sign3A_1555 : i1 to i32
        %sign3A_1557 = arith.constant 0 : i32
        %sign3A_1558 = arith.cmpi slt, %scan3A_709, %sign3A_1557 : i32
        %sign3A_1559 = arith.extui %sign3A_1558 : i1 to i32
        %sign3A_1560 = arith.subi %sign3A_1556, %sign3A_1559 : i32
        %sign3A_1561 = arith.constant 0 : i32
        %sign3A_1562 = arith.cmpi sgt, %jit3A_1552, %sign3A_1561 : i32
        %sign3A_1563 = arith.extui %sign3A_1562 : i1 to i32
        %sign3A_1564 = arith.constant 0 : i32
        %sign3A_1565 = arith.cmpi slt, %jit3A_1552, %sign3A_1564 : i32
        %sign3A_1566 = arith.extui %sign3A_1565 : i1 to i32
        %sign3A_1567 = arith.subi %sign3A_1563, %sign3A_1566 : i32
        %ne3A_1568 = arith.cmpi ne, %sign3A_1560, %sign3A_1567 : i32
        %rem3A_1569 = arith.remsi %scan3A_709, %jit3A_1552 : i32
        %ne3A_1570 = arith.constant 0 : i32
        %ne3A_1571 = arith.cmpi ne, %rem3A_1569, %ne3A_1570 : i32
        %and3A_1572 = arith.andi %ne3A_1568, %ne3A_1571 : i1
        %sub3A_1573 = arith.constant 1 : i32
        %sub3A_1574 = arith.subi %div3A_1553, %sub3A_1573 : i32
        %select_n3A_1575 = arith.select %and3A_1572, %sub3A_1574, %div3A_1553 : i32
        %jit3A_1576 = arith.constant 8 : i32
        %eq3A_1577 = arith.constant 0 : i32
        %eq3A_1578 = arith.cmpi eq, %jit3A_1576, %eq3A_1577 : i32
        %jit3A_1579 = arith.constant 1 : i32
        %select_n3A_1580 = arith.select %eq3A_1578, %jit3A_1579, %jit3A_1576 : i32
        %rem3A_1581 = arith.remsi %scan3A_709, %select_n3A_1580 : i32
        %ne3A_1582 = arith.constant 0 : i32
        %ne3A_1583 = arith.cmpi ne, %rem3A_1581, %ne3A_1582 : i32
        %lt3A_1584 = arith.constant 0 : i32
        %lt3A_1585 = arith.cmpi slt, %rem3A_1581, %lt3A_1584 : i32
        %lt3A_1586 = arith.constant 0 : i32
        %lt3A_1587 = arith.cmpi slt, %select_n3A_1580, %lt3A_1586 : i32
        %ne3A_1588 = arith.xori %lt3A_1585, %lt3A_1587 : i1
        %and3A_1589 = arith.andi %ne3A_1588, %ne3A_1583 : i1
        %add3A_1590 = arith.addi %rem3A_1581, %select_n3A_1580 : i32
        %select_n3A_1591 = arith.select %and3A_1589, %add3A_1590, %rem3A_1581 : i32
        %add3A_1592 = arith.addi %mul3A_2, %select_n3A_1575 : i32
        %jit3A_1593 = arith.constant 4 : i32
        %div3A_1594 = arith.divsi %add3A_1592, %jit3A_1593 : i32
        %sign3A_1595 = arith.constant 0 : i32
        %sign3A_1596 = arith.cmpi sgt, %add3A_1592, %sign3A_1595 : i32
        %sign3A_1597 = arith.extui %sign3A_1596 : i1 to i32
        %sign3A_1598 = arith.constant 0 : i32
        %sign3A_1599 = arith.cmpi slt, %add3A_1592, %sign3A_1598 : i32
        %sign3A_1600 = arith.extui %sign3A_1599 : i1 to i32
        %sign3A_1601 = arith.subi %sign3A_1597, %sign3A_1600 : i32
        %sign3A_1602 = arith.constant 0 : i32
        %sign3A_1603 = arith.cmpi sgt, %jit3A_1593, %sign3A_1602 : i32
        %sign3A_1604 = arith.extui %sign3A_1603 : i1 to i32
        %sign3A_1605 = arith.constant 0 : i32
        %sign3A_1606 = arith.cmpi slt, %jit3A_1593, %sign3A_1605 : i32
        %sign3A_1607 = arith.extui %sign3A_1606 : i1 to i32
        %sign3A_1608 = arith.subi %sign3A_1604, %sign3A_1607 : i32
        %ne3A_1609 = arith.cmpi ne, %sign3A_1601, %sign3A_1608 : i32
        %rem3A_1610 = arith.remsi %add3A_1592, %jit3A_1593 : i32
        %ne3A_1611 = arith.constant 0 : i32
        %ne3A_1612 = arith.cmpi ne, %rem3A_1610, %ne3A_1611 : i32
        %and3A_1613 = arith.andi %ne3A_1609, %ne3A_1612 : i1
        %sub3A_1614 = arith.constant 1 : i32
        %sub3A_1615 = arith.subi %div3A_1594, %sub3A_1614 : i32
        %select_n3A_1616 = arith.select %and3A_1613, %sub3A_1615, %div3A_1594 : i32
        %jit3A_1617 = arith.constant 4 : i32
        %eq3A_1618 = arith.constant 0 : i32
        %eq3A_1619 = arith.cmpi eq, %jit3A_1617, %eq3A_1618 : i32
        %jit3A_1620 = arith.constant 1 : i32
        %select_n3A_1621 = arith.select %eq3A_1619, %jit3A_1620, %jit3A_1617 : i32
        %rem3A_1622 = arith.remsi %add3A_1592, %select_n3A_1621 : i32
        %ne3A_1623 = arith.constant 0 : i32
        %ne3A_1624 = arith.cmpi ne, %rem3A_1622, %ne3A_1623 : i32
        %lt3A_1625 = arith.constant 0 : i32
        %lt3A_1626 = arith.cmpi slt, %rem3A_1622, %lt3A_1625 : i32
        %lt3A_1627 = arith.constant 0 : i32
        %lt3A_1628 = arith.cmpi slt, %select_n3A_1621, %lt3A_1627 : i32
        %ne3A_1629 = arith.xori %lt3A_1626, %lt3A_1628 : i1
        %and3A_1630 = arith.andi %ne3A_1629, %ne3A_1624 : i1
        %add3A_1631 = arith.addi %rem3A_1622, %select_n3A_1621 : i32
        %select_n3A_1632 = arith.select %and3A_1630, %add3A_1631, %rem3A_1622 : i32
        %mul3A_1633 = arith.constant 32 : i32
        %mul3A_1634 = arith.muli %select_n3A_1632, %mul3A_1633 : i32
        %mul3A_1635 = arith.constant 4 : i32
        %mul3A_1636 = arith.muli %select_n3A_1591, %mul3A_1635 : i32
        %add3A_1637 = arith.addi %mul3A_1634, %mul3A_1636 : i32
        %dma_wait3A_1638 = arith.constant 2 : i32
        %dma_wait3A_1639 = arith.constant 2 : i32
        %dma_wait3A_1640 = arith.constant 0 : i32
        %dma_wait3A_1641 = arith.constant 0 : i32
        %dma_wait3A_1642 = arith.constant 0 : i32
        %dma_wait3A_1643 = tpu.memref_slice %arg7[%select_n3A_726, %dma_wait3A_1638, %dma_wait3A_1640, %dma_wait3A_1641, %dma_wait3A_1642] : memref<2x4x4x8x129xf32, #tpu.memory_space<vmem>> -> memref<1x1x4x8x128xf32, #tpu.memory_space<vmem>>
        %dma_wait3A_1644 = tpu.memref_squeeze %dma_wait3A_1643 : memref<1x1x4x8x128xf32, #tpu.memory_space<vmem>> -> memref<4x8x128xf32, #tpu.memory_space<vmem>>
        %dma_wait3A_1645 = arith.constant 0 : i32
        %dma_wait3A_1646 = arith.constant 0 : i32
        %dma_wait3A_1647 = tpu.memref_slice %arg4[%select_n3A_1616, %dma_wait3A_1639, %add3A_1637, %dma_wait3A_1645, %dma_wait3A_1646] : memref<200x4x128x8x128xf32, #tpu.memory_space<hbm>> -> memref<1x1x4x8x128xf32, #tpu.memory_space<hbm>>
        %dma_wait3A_1648 = tpu.memref_squeeze %dma_wait3A_1647 : memref<1x1x4x8x128xf32, #tpu.memory_space<hbm>> -> memref<4x8x128xf32, #tpu.memory_space<hbm>>
        %dma_wait3A_1649 = tpu.memref_slice %arg10[%select_n3A_726] : memref<2x!tpu.dma_semaphore, #tpu.memory_space<semaphore_mem>> -> memref<1x!tpu.dma_semaphore, #tpu.memory_space<semaphore_mem>>
        %dma_wait3A_1650 = tpu.memref_squeeze %dma_wait3A_1649 : memref<1x!tpu.dma_semaphore, #tpu.memory_space<semaphore_mem>> -> memref<!tpu.dma_semaphore, #tpu.memory_space<semaphore_mem>>
        %dma_wait3A_1651 = arith.constant 0 : i32
        %dma_wait3A_1652 = arith.constant 0 : i32
        %dma_wait3A_1653 = tpu.memref_slice %arg4[%select_n3A_1616, %dma_wait3A_1639, %add3A_1637, %dma_wait3A_1651, %dma_wait3A_1652] : memref<200x4x128x8x128xf32, #tpu.memory_space<hbm>> -> memref<1x1x4x8x128xf32, #tpu.memory_space<hbm>>
        %dma_wait3A_1654 = tpu.memref_squeeze %dma_wait3A_1653 : memref<1x1x4x8x128xf32, #tpu.memory_space<hbm>> -> memref<4x8x128xf32, #tpu.memory_space<hbm>>
        %dma_wait3A_1655 = arith.constant 0 : i32
        %dma_wait3A_1656 = arith.constant 0 : i32
        %dma_wait3A_1657 = arith.constant 0 : i32
        %dma_wait3A_1658 = tpu.memref_slice %arg7[%select_n3A_726, %dma_wait3A_1638, %dma_wait3A_1655, %dma_wait3A_1656, %dma_wait3A_1657] : memref<2x4x4x8x129xf32, #tpu.memory_space<vmem>> -> memref<1x1x4x8x128xf32, #tpu.memory_space<vmem>>
        %dma_wait3A_1659 = tpu.memref_squeeze %dma_wait3A_1658 : memref<1x1x4x8x128xf32, #tpu.memory_space<vmem>> -> memref<4x8x128xf32, #tpu.memory_space<vmem>>
        tpu.wait_dma2 semaphore(%dma_wait3A_1650 : memref<!tpu.dma_semaphore, #tpu.memory_space<semaphore_mem>>) src(%dma_wait3A_1659 : memref<4x8x128xf32, #tpu.memory_space<vmem>>) dst(%dma_wait3A_1654 : memref<4x8x128xf32, #tpu.memory_space<hbm>>)
        %jit3A_1660 = arith.constant 8 : i32
        %div3A_1661 = arith.divsi %scan3A_709, %jit3A_1660 : i32
        %sign3A_1662 = arith.constant 0 : i32
        %sign3A_1663 = arith.cmpi sgt, %scan3A_709, %sign3A_1662 : i32
        %sign3A_1664 = arith.extui %sign3A_1663 : i1 to i32
        %sign3A_1665 = arith.constant 0 : i32
        %sign3A_1666 = arith.cmpi slt, %scan3A_709, %sign3A_1665 : i32
        %sign3A_1667 = arith.extui %sign3A_1666 : i1 to i32
        %sign3A_1668 = arith.subi %sign3A_1664, %sign3A_1667 : i32
        %sign3A_1669 = arith.constant 0 : i32
        %sign3A_1670 = arith.cmpi sgt, %jit3A_1660, %sign3A_1669 : i32
        %sign3A_1671 = arith.extui %sign3A_1670 : i1 to i32
        %sign3A_1672 = arith.constant 0 : i32
        %sign3A_1673 = arith.cmpi slt, %jit3A_1660, %sign3A_1672 : i32
        %sign3A_1674 = arith.extui %sign3A_1673 : i1 to i32
        %sign3A_1675 = arith.subi %sign3A_1671, %sign3A_1674 : i32
        %ne3A_1676 = arith.cmpi ne, %sign3A_1668, %sign3A_1675 : i32
        %rem3A_1677 = arith.remsi %scan3A_709, %jit3A_1660 : i32
        %ne3A_1678 = arith.constant 0 : i32
        %ne3A_1679 = arith.cmpi ne, %rem3A_1677, %ne3A_1678 : i32
        %and3A_1680 = arith.andi %ne3A_1676, %ne3A_1679 : i1
        %sub3A_1681 = arith.constant 1 : i32
        %sub3A_1682 = arith.subi %div3A_1661, %sub3A_1681 : i32
        %select_n3A_1683 = arith.select %and3A_1680, %sub3A_1682, %div3A_1661 : i32
        %jit3A_1684 = arith.constant 8 : i32
        %eq3A_1685 = arith.constant 0 : i32
        %eq3A_1686 = arith.cmpi eq, %jit3A_1684, %eq3A_1685 : i32
        %jit3A_1687 = arith.constant 1 : i32
        %select_n3A_1688 = arith.select %eq3A_1686, %jit3A_1687, %jit3A_1684 : i32
        %rem3A_1689 = arith.remsi %scan3A_709, %select_n3A_1688 : i32
        %ne3A_1690 = arith.constant 0 : i32
        %ne3A_1691 = arith.cmpi ne, %rem3A_1689, %ne3A_1690 : i32
        %lt3A_1692 = arith.constant 0 : i32
        %lt3A_1693 = arith.cmpi slt, %rem3A_1689, %lt3A_1692 : i32
        %lt3A_1694 = arith.constant 0 : i32
        %lt3A_1695 = arith.cmpi slt, %select_n3A_1688, %lt3A_1694 : i32
        %ne3A_1696 = arith.xori %lt3A_1693, %lt3A_1695 : i1
        %and3A_1697 = arith.andi %ne3A_1696, %ne3A_1691 : i1
        %add3A_1698 = arith.addi %rem3A_1689, %select_n3A_1688 : i32
        %select_n3A_1699 = arith.select %and3A_1697, %add3A_1698, %rem3A_1689 : i32
        %add3A_1700 = arith.addi %mul3A_2, %select_n3A_1683 : i32
        %jit3A_1701 = arith.constant 4 : i32
        %div3A_1702 = arith.divsi %add3A_1700, %jit3A_1701 : i32
        %sign3A_1703 = arith.constant 0 : i32
        %sign3A_1704 = arith.cmpi sgt, %add3A_1700, %sign3A_1703 : i32
        %sign3A_1705 = arith.extui %sign3A_1704 : i1 to i32
        %sign3A_1706 = arith.constant 0 : i32
        %sign3A_1707 = arith.cmpi slt, %add3A_1700, %sign3A_1706 : i32
        %sign3A_1708 = arith.extui %sign3A_1707 : i1 to i32
        %sign3A_1709 = arith.subi %sign3A_1705, %sign3A_1708 : i32
        %sign3A_1710 = arith.constant 0 : i32
        %sign3A_1711 = arith.cmpi sgt, %jit3A_1701, %sign3A_1710 : i32
        %sign3A_1712 = arith.extui %sign3A_1711 : i1 to i32
        %sign3A_1713 = arith.constant 0 : i32
        %sign3A_1714 = arith.cmpi slt, %jit3A_1701, %sign3A_1713 : i32
        %sign3A_1715 = arith.extui %sign3A_1714 : i1 to i32
        %sign3A_1716 = arith.subi %sign3A_1712, %sign3A_1715 : i32
        %ne3A_1717 = arith.cmpi ne, %sign3A_1709, %sign3A_1716 : i32
        %rem3A_1718 = arith.remsi %add3A_1700, %jit3A_1701 : i32
        %ne3A_1719 = arith.constant 0 : i32
        %ne3A_1720 = arith.cmpi ne, %rem3A_1718, %ne3A_1719 : i32
        %and3A_1721 = arith.andi %ne3A_1717, %ne3A_1720 : i1
        %sub3A_1722 = arith.constant 1 : i32
        %sub3A_1723 = arith.subi %div3A_1702, %sub3A_1722 : i32
        %select_n3A_1724 = arith.select %and3A_1721, %sub3A_1723, %div3A_1702 : i32
        %jit3A_1725 = arith.constant 4 : i32
        %eq3A_1726 = arith.constant 0 : i32
        %eq3A_1727 = arith.cmpi eq, %jit3A_1725, %eq3A_1726 : i32
        %jit3A_1728 = arith.constant 1 : i32
        %select_n3A_1729 = arith.select %eq3A_1727, %jit3A_1728, %jit3A_1725 : i32
        %rem3A_1730 = arith.remsi %add3A_1700, %select_n3A_1729 : i32
        %ne3A_1731 = arith.constant 0 : i32
        %ne3A_1732 = arith.cmpi ne, %rem3A_1730, %ne3A_1731 : i32
        %lt3A_1733 = arith.constant 0 : i32
        %lt3A_1734 = arith.cmpi slt, %rem3A_1730, %lt3A_1733 : i32
        %lt3A_1735 = arith.constant 0 : i32
        %lt3A_1736 = arith.cmpi slt, %select_n3A_1729, %lt3A_1735 : i32
        %ne3A_1737 = arith.xori %lt3A_1734, %lt3A_1736 : i1
        %and3A_1738 = arith.andi %ne3A_1737, %ne3A_1732 : i1
        %add3A_1739 = arith.addi %rem3A_1730, %select_n3A_1729 : i32
        %select_n3A_1740 = arith.select %and3A_1738, %add3A_1739, %rem3A_1730 : i32
        %mul3A_1741 = arith.constant 32 : i32
        %mul3A_1742 = arith.muli %select_n3A_1740, %mul3A_1741 : i32
        %mul3A_1743 = arith.constant 4 : i32
        %mul3A_1744 = arith.muli %select_n3A_1699, %mul3A_1743 : i32
        %add3A_1745 = arith.addi %mul3A_1742, %mul3A_1744 : i32
        %dma_wait3A_1746 = arith.constant 3 : i32
        %dma_wait3A_1747 = arith.constant 3 : i32
        %dma_wait3A_1748 = arith.constant 0 : i32
        %dma_wait3A_1749 = arith.constant 0 : i32
        %dma_wait3A_1750 = arith.constant 0 : i32
        %dma_wait3A_1751 = tpu.memref_slice %arg7[%select_n3A_726, %dma_wait3A_1746, %dma_wait3A_1748, %dma_wait3A_1749, %dma_wait3A_1750] : memref<2x4x4x8x129xf32, #tpu.memory_space<vmem>> -> memref<1x1x4x8x128xf32, #tpu.memory_space<vmem>>
        %dma_wait3A_1752 = tpu.memref_squeeze %dma_wait3A_1751 : memref<1x1x4x8x128xf32, #tpu.memory_space<vmem>> -> memref<4x8x128xf32, #tpu.memory_space<vmem>>
        %dma_wait3A_1753 = arith.constant 0 : i32
        %dma_wait3A_1754 = arith.constant 0 : i32
        %dma_wait3A_1755 = tpu.memref_slice %arg4[%select_n3A_1724, %dma_wait3A_1747, %add3A_1745, %dma_wait3A_1753, %dma_wait3A_1754] : memref<200x4x128x8x128xf32, #tpu.memory_space<hbm>> -> memref<1x1x4x8x128xf32, #tpu.memory_space<hbm>>
        %dma_wait3A_1756 = tpu.memref_squeeze %dma_wait3A_1755 : memref<1x1x4x8x128xf32, #tpu.memory_space<hbm>> -> memref<4x8x128xf32, #tpu.memory_space<hbm>>
        %dma_wait3A_1757 = tpu.memref_slice %arg10[%select_n3A_726] : memref<2x!tpu.dma_semaphore, #tpu.memory_space<semaphore_mem>> -> memref<1x!tpu.dma_semaphore, #tpu.memory_space<semaphore_mem>>
        %dma_wait3A_1758 = tpu.memref_squeeze %dma_wait3A_1757 : memref<1x!tpu.dma_semaphore, #tpu.memory_space<semaphore_mem>> -> memref<!tpu.dma_semaphore, #tpu.memory_space<semaphore_mem>>
        %dma_wait3A_1759 = arith.constant 0 : i32
        %dma_wait3A_1760 = arith.constant 0 : i32
        %dma_wait3A_1761 = tpu.memref_slice %arg4[%select_n3A_1724, %dma_wait3A_1747, %add3A_1745, %dma_wait3A_1759, %dma_wait3A_1760] : memref<200x4x128x8x128xf32, #tpu.memory_space<hbm>> -> memref<1x1x4x8x128xf32, #tpu.memory_space<hbm>>
        %dma_wait3A_1762 = tpu.memref_squeeze %dma_wait3A_1761 : memref<1x1x4x8x128xf32, #tpu.memory_space<hbm>> -> memref<4x8x128xf32, #tpu.memory_space<hbm>>
        %dma_wait3A_1763 = arith.constant 0 : i32
        %dma_wait3A_1764 = arith.constant 0 : i32
        %dma_wait3A_1765 = arith.constant 0 : i32
        %dma_wait3A_1766 = tpu.memref_slice %arg7[%select_n3A_726, %dma_wait3A_1746, %dma_wait3A_1763, %dma_wait3A_1764, %dma_wait3A_1765] : memref<2x4x4x8x129xf32, #tpu.memory_space<vmem>> -> memref<1x1x4x8x128xf32, #tpu.memory_space<vmem>>
        %dma_wait3A_1767 = tpu.memref_squeeze %dma_wait3A_1766 : memref<1x1x4x8x128xf32, #tpu.memory_space<vmem>> -> memref<4x8x128xf32, #tpu.memory_space<vmem>>
        tpu.wait_dma2 semaphore(%dma_wait3A_1758 : memref<!tpu.dma_semaphore, #tpu.memory_space<semaphore_mem>>) src(%dma_wait3A_1767 : memref<4x8x128xf32, #tpu.memory_space<vmem>>) dst(%dma_wait3A_1762 : memref<4x8x128xf32, #tpu.memory_space<hbm>>)
      } else {
      }
      %jit3A_885 = arith.constant 4 : i32
      %eq3A_886 = arith.constant 0 : i32
      %eq3A_887 = arith.cmpi eq, %jit3A_885, %eq3A_886 : i32
      %jit3A_888 = arith.constant 1 : i32
      %select_n3A_889 = arith.select %eq3A_887, %jit3A_888, %jit3A_885 : i32
      %rem3A_890 = arith.remsi %scan3A_709, %select_n3A_889 : i32
      %ne3A_891 = arith.constant 0 : i32
      %ne3A_892 = arith.cmpi ne, %rem3A_890, %ne3A_891 : i32
      %lt3A_893 = arith.constant 0 : i32
      %lt3A_894 = arith.cmpi slt, %rem3A_890, %lt3A_893 : i32
      %lt3A_895 = arith.constant 0 : i32
      %lt3A_896 = arith.cmpi slt, %select_n3A_889, %lt3A_895 : i32
      %ne3A_897 = arith.xori %lt3A_894, %lt3A_896 : i1
      %and3A_898 = arith.andi %ne3A_897, %ne3A_892 : i1
      %add3A_899 = arith.addi %rem3A_890, %select_n3A_889 : i32
      %select_n3A_900 = arith.select %and3A_898, %add3A_899, %rem3A_890 : i32
      %parallel_loop3A = arith.constant 0 : i32
      %parallel_loop3A_901 = arith.constant 512 : i32
      %parallel_loop3A_902 = arith.constant 1 : i32
      scf.for %parallel_loop3A_1336 = %parallel_loop3A to %parallel_loop3A_901 step %parallel_loop3A_902  : i32 {
        %parallel_loop3A_1337 = arith.constant 7 : i32
        %parallel_loop3A_1338 = arith.shrsi %parallel_loop3A_1336, %parallel_loop3A_1337 : i32
        %parallel_loop3A_1339 = vector.broadcast %parallel_loop3A_1338 : i32 to vector<16xi32>
        %parallel_loop3A_1340 = arith.constant 127 : i32
        %parallel_loop3A_1341 = arith.andi %parallel_loop3A_1336, %parallel_loop3A_1340 : i32
        %parallel_loop3A_1342 = vector.broadcast %parallel_loop3A_1341 : i32 to vector<16xi32>
        %parallel_loop3A_1343 = arith.index_cast %select_n3A_900 : i32 to index
        %parallel_loop3A_1344 = arith.index_cast %parallel_loop3A_1336 : i32 to index
        %parallel_loop3A_1345 = arith.constant 0 : index
        %parallel_loop3A_1346 = tpu.vector_load %arg6[%parallel_loop3A_1343, %parallel_loop3A_1344, %parallel_loop3A_1345] {strides = array<i32>} : memref<4x512x32xf32, #tpu.memory_space<vmem>>, vector<16xf32>,
        %parallel_loop3A_1347 = arith.index_cast %select_n3A_900 : i32 to index
        %parallel_loop3A_1348 = arith.index_cast %parallel_loop3A_1336 : i32 to index
        %parallel_loop3A_1349 = arith.constant 16 : index
        %parallel_loop3A_1350 = tpu.vector_load %arg6[%parallel_loop3A_1347, %parallel_loop3A_1348, %parallel_loop3A_1349] {strides = array<i32>} : memref<4x512x32xf32, #tpu.memory_space<vmem>>, vector<16xf32>,
        %parallel_loop3A_1351 = arith.constant 0 : i32
        %parallel_loop3A_1352 = arith.constant 0 : i32
        %parallel_loop3A_1353 = arith.constant 0 : i32
        %parallel_loop3A_1354 = arith.constant 0 : i32
        %parallel_loop3A_1355 = tpu.memref_slice %arg7[%select_n3A_726, %parallel_loop3A_1351, %parallel_loop3A_1352, %parallel_loop3A_1353, %parallel_loop3A_1354] : memref<2x4x4x8x129xf32, #tpu.memory_space<vmem>> -> memref<1x4x4x8x129xf32, #tpu.memory_space<vmem>>
        %parallel_loop3A_1356 = tpu.memref_squeeze %parallel_loop3A_1355 : memref<1x4x4x8x129xf32, #tpu.memory_space<vmem>> -> memref<4x4x8x129xf32, #tpu.memory_space<vmem>>
        tpu.vector_store_idx %parallel_loop3A_1356[%shift_right_arithmetic3A_4, %parallel_loop3A_1339, %and3A_9, %parallel_loop3A_1342], %parallel_loop3A_1346 : memref<4x4x8x129xf32, #tpu.memory_space<vmem>>[vector<16xi32>, vector<16xi32>, vector<16xi32>, vector<16xi32>], vector<16xf32>,
        %parallel_loop3A_1357 = arith.constant 0 : i32
        %parallel_loop3A_1358 = arith.constant 0 : i32
        %parallel_loop3A_1359 = arith.constant 0 : i32
        %parallel_loop3A_1360 = arith.constant 0 : i32
        %parallel_loop3A_1361 = tpu.memref_slice %arg7[%select_n3A_726, %parallel_loop3A_1357, %parallel_loop3A_1358, %parallel_loop3A_1359, %parallel_loop3A_1360] : memref<2x4x4x8x129xf32, #tpu.memory_space<vmem>> -> memref<1x4x4x8x129xf32, #tpu.memory_space<vmem>>
        %parallel_loop3A_1362 = tpu.memref_squeeze %parallel_loop3A_1361 : memref<1x4x4x8x129xf32, #tpu.memory_space<vmem>> -> memref<4x4x8x129xf32, #tpu.memory_space<vmem>>
        tpu.vector_store_idx %parallel_loop3A_1362[%add3A_7, %parallel_loop3A_1339, %and3A_9, %parallel_loop3A_1342], %parallel_loop3A_1350 : memref<4x4x8x129xf32, #tpu.memory_space<vmem>>[vector<16xi32>, vector<16xi32>, vector<16xi32>, vector<16xi32>], vector<16xf32>,
      } {sc.loop_unroll_factor = 8 : i64, sc.parallel_access}
      %jit3A_903 = arith.constant 8 : i32
      %div3A_904 = arith.divsi %scan3A_709, %jit3A_903 : i32
      %sign3A_905 = arith.constant 0 : i32
      %sign3A_906 = arith.cmpi sgt, %scan3A_709, %sign3A_905 : i32
      %sign3A_907 = arith.extui %sign3A_906 : i1 to i32
      %sign3A_908 = arith.constant 0 : i32
      %sign3A_909 = arith.cmpi slt, %scan3A_709, %sign3A_908 : i32
      %sign3A_910 = arith.extui %sign3A_909 : i1 to i32
      %sign3A_911 = arith.subi %sign3A_907, %sign3A_910 : i32
      %sign3A_912 = arith.constant 0 : i32
      %sign3A_913 = arith.cmpi sgt, %jit3A_903, %sign3A_912 : i32
      %sign3A_914 = arith.extui %sign3A_913 : i1 to i32
      %sign3A_915 = arith.constant 0 : i32
      %sign3A_916 = arith.cmpi slt, %jit3A_903, %sign3A_915 : i32
      %sign3A_917 = arith.extui %sign3A_916 : i1 to i32
      %sign3A_918 = arith.subi %sign3A_914, %sign3A_917 : i32
      %ne3A_919 = arith.cmpi ne, %sign3A_911, %sign3A_918 : i32
      %rem3A_920 = arith.remsi %scan3A_709, %jit3A_903 : i32
      %ne3A_921 = arith.constant 0 : i32
      %ne3A_922 = arith.cmpi ne, %rem3A_920, %ne3A_921 : i32
      %and3A_923 = arith.andi %ne3A_919, %ne3A_922 : i1
      %sub3A_924 = arith.constant 1 : i32
      %sub3A_925 = arith.subi %div3A_904, %sub3A_924 : i32
      %select_n3A_926 = arith.select %and3A_923, %sub3A_925, %div3A_904 : i32
      %jit3A_927 = arith.constant 8 : i32
      %eq3A_928 = arith.constant 0 : i32
      %eq3A_929 = arith.cmpi eq, %jit3A_927, %eq3A_928 : i32
      %jit3A_930 = arith.constant 1 : i32
      %select_n3A_931 = arith.select %eq3A_929, %jit3A_930, %jit3A_927 : i32
      %rem3A_932 = arith.remsi %scan3A_709, %select_n3A_931 : i32
      %ne3A_933 = arith.constant 0 : i32
      %ne3A_934 = arith.cmpi ne, %rem3A_932, %ne3A_933 : i32
      %lt3A_935 = arith.constant 0 : i32
      %lt3A_936 = arith.cmpi slt, %rem3A_932, %lt3A_935 : i32
      %lt3A_937 = arith.constant 0 : i32
      %lt3A_938 = arith.cmpi slt, %select_n3A_931, %lt3A_937 : i32
      %ne3A_939 = arith.xori %lt3A_936, %lt3A_938 : i1
      %and3A_940 = arith.andi %ne3A_939, %ne3A_934 : i1
      %add3A_941 = arith.addi %rem3A_932, %select_n3A_931 : i32
      %select_n3A_942 = arith.select %and3A_940, %add3A_941, %rem3A_932 : i32
      %add3A_943 = arith.addi %mul3A_2, %select_n3A_926 : i32
      %jit3A_944 = arith.constant 4 : i32
      %div3A_945 = arith.divsi %add3A_943, %jit3A_944 : i32
      %sign3A_946 = arith.constant 0 : i32
      %sign3A_947 = arith.cmpi sgt, %add3A_943, %sign3A_946 : i32
      %sign3A_948 = arith.extui %sign3A_947 : i1 to i32
      %sign3A_949 = arith.constant 0 : i32
      %sign3A_950 = arith.cmpi slt, %add3A_943, %sign3A_949 : i32
      %sign3A_951 = arith.extui %sign3A_950 : i1 to i32
      %sign3A_952 = arith.subi %sign3A_948, %sign3A_951 : i32
      %sign3A_953 = arith.constant 0 : i32
      %sign3A_954 = arith.cmpi sgt, %jit3A_944, %sign3A_953 : i32
      %sign3A_955 = arith.extui %sign3A_954 : i1 to i32
      %sign3A_956 = arith.constant 0 : i32
      %sign3A_957 = arith.cmpi slt, %jit3A_944, %sign3A_956 : i32
      %sign3A_958 = arith.extui %sign3A_957 : i1 to i32
      %sign3A_959 = arith.subi %sign3A_955, %sign3A_958 : i32
      %ne3A_960 = arith.cmpi ne, %sign3A_952, %sign3A_959 : i32
      %rem3A_961 = arith.remsi %add3A_943, %jit3A_944 : i32
      %ne3A_962 = arith.constant 0 : i32
      %ne3A_963 = arith.cmpi ne, %rem3A_961, %ne3A_962 : i32
      %and3A_964 = arith.andi %ne3A_960, %ne3A_963 : i1
      %sub3A_965 = arith.constant 1 : i32
      %sub3A_966 = arith.subi %div3A_945, %sub3A_965 : i32
      %select_n3A_967 = arith.select %and3A_964, %sub3A_966, %div3A_945 : i32
      %jit3A_968 = arith.constant 4 : i32
      %eq3A_969 = arith.constant 0 : i32
      %eq3A_970 = arith.cmpi eq, %jit3A_968, %eq3A_969 : i32
      %jit3A_971 = arith.constant 1 : i32
      %select_n3A_972 = arith.select %eq3A_970, %jit3A_971, %jit3A_968 : i32
      %rem3A_973 = arith.remsi %add3A_943, %select_n3A_972 : i32
      %ne3A_974 = arith.constant 0 : i32
      %ne3A_975 = arith.cmpi ne, %rem3A_973, %ne3A_974 : i32
      %lt3A_976 = arith.constant 0 : i32
      %lt3A_977 = arith.cmpi slt, %rem3A_973, %lt3A_976 : i32
      %lt3A_978 = arith.constant 0 : i32
      %lt3A_979 = arith.cmpi slt, %select_n3A_972, %lt3A_978 : i32
      %ne3A_980 = arith.xori %lt3A_977, %lt3A_979 : i1
      %and3A_981 = arith.andi %ne3A_980, %ne3A_975 : i1
      %add3A_982 = arith.addi %rem3A_973, %select_n3A_972 : i32
      %select_n3A_983 = arith.select %and3A_981, %add3A_982, %rem3A_973 : i32
      %mul3A_984 = arith.constant 32 : i32
      %mul3A_985 = arith.muli %select_n3A_983, %mul3A_984 : i32
      %mul3A_986 = arith.constant 4 : i32
      %mul3A_987 = arith.muli %select_n3A_942, %mul3A_986 : i32
      %add3A_988 = arith.addi %mul3A_985, %mul3A_987 : i32
      %dma_start3A_989 = arith.constant 0 : i32
      %dma_start3A_990 = arith.constant 0 : i32
      %dma_start3A_991 = arith.constant 0 : i32
      %dma_start3A_992 = arith.constant 0 : i32
      %dma_start3A_993 = arith.constant 0 : i32
      %dma_start3A_994 = tpu.memref_slice %arg7[%select_n3A_726, %dma_start3A_989, %dma_start3A_991, %dma_start3A_992, %dma_start3A_993] : memref<2x4x4x8x129xf32, #tpu.memory_space<vmem>> -> memref<1x1x4x8x128xf32, #tpu.memory_space<vmem>>
      %dma_start3A_995 = tpu.memref_squeeze %dma_start3A_994 : memref<1x1x4x8x128xf32, #tpu.memory_space<vmem>> -> memref<4x8x128xf32, #tpu.memory_space<vmem>>
      %dma_start3A_996 = arith.constant 0 : i32
      %dma_start3A_997 = arith.constant 0 : i32
      %dma_start3A_998 = tpu.memref_slice %arg4[%select_n3A_967, %dma_start3A_990, %add3A_988, %dma_start3A_996, %dma_start3A_997] : memref<200x4x128x8x128xf32, #tpu.memory_space<hbm>> -> memref<1x1x4x8x128xf32, #tpu.memory_space<hbm>>
      %dma_start3A_999 = tpu.memref_squeeze %dma_start3A_998 : memref<1x1x4x8x128xf32, #tpu.memory_space<hbm>> -> memref<4x8x128xf32, #tpu.memory_space<hbm>>
      %dma_start3A_1000 = tpu.memref_slice %arg10[%select_n3A_726] : memref<2x!tpu.dma_semaphore, #tpu.memory_space<semaphore_mem>> -> memref<1x!tpu.dma_semaphore, #tpu.memory_space<semaphore_mem>>
      %dma_start3A_1001 = tpu.memref_squeeze %dma_start3A_1000 : memref<1x!tpu.dma_semaphore, #tpu.memory_space<semaphore_mem>> -> memref<!tpu.dma_semaphore, #tpu.memory_space<semaphore_mem>>
      %dma_start3A_1002 = arith.constant 0 : i32
      %dma_start3A_1003 = arith.constant 0 : i32
      %dma_start3A_1004 = tpu.memref_slice %arg4[%select_n3A_967, %dma_start3A_990, %add3A_988, %dma_start3A_1002, %dma_start3A_1003] : memref<200x4x128x8x128xf32, #tpu.memory_space<hbm>> -> memref<1x1x4x8x128xf32, #tpu.memory_space<hbm>>
      %dma_start3A_1005 = tpu.memref_squeeze %dma_start3A_1004 : memref<1x1x4x8x128xf32, #tpu.memory_space<hbm>> -> memref<4x8x128xf32, #tpu.memory_space<hbm>>
      %dma_start3A_1006 = arith.constant 0 : i32
      %dma_start3A_1007 = arith.constant 0 : i32
      %dma_start3A_1008 = arith.constant 0 : i32
      %dma_start3A_1009 = tpu.memref_slice %arg7[%select_n3A_726, %dma_start3A_989, %dma_start3A_1006, %dma_start3A_1007, %dma_start3A_1008] : memref<2x4x4x8x129xf32, #tpu.memory_space<vmem>> -> memref<1x1x4x8x128xf32, #tpu.memory_space<vmem>>
      %dma_start3A_1010 = tpu.memref_squeeze %dma_start3A_1009 : memref<1x1x4x8x128xf32, #tpu.memory_space<vmem>> -> memref<4x8x128xf32, #tpu.memory_space<vmem>>
      tpu.enqueue_dma source(%dma_start3A_1010 : memref<4x8x128xf32, #tpu.memory_space<vmem>>) target(%dma_start3A_1005 : memref<4x8x128xf32, #tpu.memory_space<hbm>>) target_semaphore(%dma_start3A_1001 : memref<!tpu.dma_semaphore, #tpu.memory_space<semaphore_mem>>)
      %jit3A_1011 = arith.constant 8 : i32
      %div3A_1012 = arith.divsi %scan3A_709, %jit3A_1011 : i32
      %sign3A_1013 = arith.constant 0 : i32
      %sign3A_1014 = arith.cmpi sgt, %scan3A_709, %sign3A_1013 : i32
      %sign3A_1015 = arith.extui %sign3A_1014 : i1 to i32
      %sign3A_1016 = arith.constant 0 : i32
      %sign3A_1017 = arith.cmpi slt, %scan3A_709, %sign3A_1016 : i32
      %sign3A_1018 = arith.extui %sign3A_1017 : i1 to i32
      %sign3A_1019 = arith.subi %sign3A_1015, %sign3A_1018 : i32
      %sign3A_1020 = arith.constant 0 : i32
      %sign3A_1021 = arith.cmpi sgt, %jit3A_1011, %sign3A_1020 : i32
      %sign3A_1022 = arith.extui %sign3A_1021 : i1 to i32
      %sign3A_1023 = arith.constant 0 : i32
      %sign3A_1024 = arith.cmpi slt, %jit3A_1011, %sign3A_1023 : i32
      %sign3A_1025 = arith.extui %sign3A_1024 : i1 to i32
      %sign3A_1026 = arith.subi %sign3A_1022, %sign3A_1025 : i32
      %ne3A_1027 = arith.cmpi ne, %sign3A_1019, %sign3A_1026 : i32
      %rem3A_1028 = arith.remsi %scan3A_709, %jit3A_1011 : i32
      %ne3A_1029 = arith.constant 0 : i32
      %ne3A_1030 = arith.cmpi ne, %rem3A_1028, %ne3A_1029 : i32
      %and3A_1031 = arith.andi %ne3A_1027, %ne3A_1030 : i1
      %sub3A_1032 = arith.constant 1 : i32
      %sub3A_1033 = arith.subi %div3A_1012, %sub3A_1032 : i32
      %select_n3A_1034 = arith.select %and3A_1031, %sub3A_1033, %div3A_1012 : i32
      %jit3A_1035 = arith.constant 8 : i32
      %eq3A_1036 = arith.constant 0 : i32
      %eq3A_1037 = arith.cmpi eq, %jit3A_1035, %eq3A_1036 : i32
      %jit3A_1038 = arith.constant 1 : i32
      %select_n3A_1039 = arith.select %eq3A_1037, %jit3A_1038, %jit3A_1035 : i32
      %rem3A_1040 = arith.remsi %scan3A_709, %select_n3A_1039 : i32
      %ne3A_1041 = arith.constant 0 : i32
      %ne3A_1042 = arith.cmpi ne, %rem3A_1040, %ne3A_1041 : i32
      %lt3A_1043 = arith.constant 0 : i32
      %lt3A_1044 = arith.cmpi slt, %rem3A_1040, %lt3A_1043 : i32
      %lt3A_1045 = arith.constant 0 : i32
      %lt3A_1046 = arith.cmpi slt, %select_n3A_1039, %lt3A_1045 : i32
      %ne3A_1047 = arith.xori %lt3A_1044, %lt3A_1046 : i1
      %and3A_1048 = arith.andi %ne3A_1047, %ne3A_1042 : i1
      %add3A_1049 = arith.addi %rem3A_1040, %select_n3A_1039 : i32
      %select_n3A_1050 = arith.select %and3A_1048, %add3A_1049, %rem3A_1040 : i32
      %add3A_1051 = arith.addi %mul3A_2, %select_n3A_1034 : i32
      %jit3A_1052 = arith.constant 4 : i32
      %div3A_1053 = arith.divsi %add3A_1051, %jit3A_1052 : i32
      %sign3A_1054 = arith.constant 0 : i32
      %sign3A_1055 = arith.cmpi sgt, %add3A_1051, %sign3A_1054 : i32
      %sign3A_1056 = arith.extui %sign3A_1055 : i1 to i32
      %sign3A_1057 = arith.constant 0 : i32
      %sign3A_1058 = arith.cmpi slt, %add3A_1051, %sign3A_1057 : i32
      %sign3A_1059 = arith.extui %sign3A_1058 : i1 to i32
      %sign3A_1060 = arith.subi %sign3A_1056, %sign3A_1059 : i32
      %sign3A_1061 = arith.constant 0 : i32
      %sign3A_1062 = arith.cmpi sgt, %jit3A_1052, %sign3A_1061 : i32
      %sign3A_1063 = arith.extui %sign3A_1062 : i1 to i32
      %sign3A_1064 = arith.constant 0 : i32
      %sign3A_1065 = arith.cmpi slt, %jit3A_1052, %sign3A_1064 : i32
      %sign3A_1066 = arith.extui %sign3A_1065 : i1 to i32
      %sign3A_1067 = arith.subi %sign3A_1063, %sign3A_1066 : i32
      %ne3A_1068 = arith.cmpi ne, %sign3A_1060, %sign3A_1067 : i32
      %rem3A_1069 = arith.remsi %add3A_1051, %jit3A_1052 : i32
      %ne3A_1070 = arith.constant 0 : i32
      %ne3A_1071 = arith.cmpi ne, %rem3A_1069, %ne3A_1070 : i32
      %and3A_1072 = arith.andi %ne3A_1068, %ne3A_1071 : i1
      %sub3A_1073 = arith.constant 1 : i32
      %sub3A_1074 = arith.subi %div3A_1053, %sub3A_1073 : i32
      %select_n3A_1075 = arith.select %and3A_1072, %sub3A_1074, %div3A_1053 : i32
      %jit3A_1076 = arith.constant 4 : i32
      %eq3A_1077 = arith.constant 0 : i32
      %eq3A_1078 = arith.cmpi eq, %jit3A_1076, %eq3A_1077 : i32
      %jit3A_1079 = arith.constant 1 : i32
      %select_n3A_1080 = arith.select %eq3A_1078, %jit3A_1079, %jit3A_1076 : i32
      %rem3A_1081 = arith.remsi %add3A_1051, %select_n3A_1080 : i32
      %ne3A_1082 = arith.constant 0 : i32
      %ne3A_1083 = arith.cmpi ne, %rem3A_1081, %ne3A_1082 : i32
      %lt3A_1084 = arith.constant 0 : i32
      %lt3A_1085 = arith.cmpi slt, %rem3A_1081, %lt3A_1084 : i32
      %lt3A_1086 = arith.constant 0 : i32
      %lt3A_1087 = arith.cmpi slt, %select_n3A_1080, %lt3A_1086 : i32
      %ne3A_1088 = arith.xori %lt3A_1085, %lt3A_1087 : i1
      %and3A_1089 = arith.andi %ne3A_1088, %ne3A_1083 : i1
      %add3A_1090 = arith.addi %rem3A_1081, %select_n3A_1080 : i32
      %select_n3A_1091 = arith.select %and3A_1089, %add3A_1090, %rem3A_1081 : i32
      %mul3A_1092 = arith.constant 32 : i32
      %mul3A_1093 = arith.muli %select_n3A_1091, %mul3A_1092 : i32
      %mul3A_1094 = arith.constant 4 : i32
      %mul3A_1095 = arith.muli %select_n3A_1050, %mul3A_1094 : i32
      %add3A_1096 = arith.addi %mul3A_1093, %mul3A_1095 : i32
      %dma_start3A_1097 = arith.constant 1 : i32
      %dma_start3A_1098 = arith.constant 1 : i32
      %dma_start3A_1099 = arith.constant 0 : i32
      %dma_start3A_1100 = arith.constant 0 : i32
      %dma_start3A_1101 = arith.constant 0 : i32
      %dma_start3A_1102 = tpu.memref_slice %arg7[%select_n3A_726, %dma_start3A_1097, %dma_start3A_1099, %dma_start3A_1100, %dma_start3A_1101] : memref<2x4x4x8x129xf32, #tpu.memory_space<vmem>> -> memref<1x1x4x8x128xf32, #tpu.memory_space<vmem>>
      %dma_start3A_1103 = tpu.memref_squeeze %dma_start3A_1102 : memref<1x1x4x8x128xf32, #tpu.memory_space<vmem>> -> memref<4x8x128xf32, #tpu.memory_space<vmem>>
      %dma_start3A_1104 = arith.constant 0 : i32
      %dma_start3A_1105 = arith.constant 0 : i32
      %dma_start3A_1106 = tpu.memref_slice %arg4[%select_n3A_1075, %dma_start3A_1098, %add3A_1096, %dma_start3A_1104, %dma_start3A_1105] : memref<200x4x128x8x128xf32, #tpu.memory_space<hbm>> -> memref<1x1x4x8x128xf32, #tpu.memory_space<hbm>>
      %dma_start3A_1107 = tpu.memref_squeeze %dma_start3A_1106 : memref<1x1x4x8x128xf32, #tpu.memory_space<hbm>> -> memref<4x8x128xf32, #tpu.memory_space<hbm>>
      %dma_start3A_1108 = tpu.memref_slice %arg10[%select_n3A_726] : memref<2x!tpu.dma_semaphore, #tpu.memory_space<semaphore_mem>> -> memref<1x!tpu.dma_semaphore, #tpu.memory_space<semaphore_mem>>
      %dma_start3A_1109 = tpu.memref_squeeze %dma_start3A_1108 : memref<1x!tpu.dma_semaphore, #tpu.memory_space<semaphore_mem>> -> memref<!tpu.dma_semaphore, #tpu.memory_space<semaphore_mem>>
      %dma_start3A_1110 = arith.constant 0 : i32
      %dma_start3A_1111 = arith.constant 0 : i32
      %dma_start3A_1112 = tpu.memref_slice %arg4[%select_n3A_1075, %dma_start3A_1098, %add3A_1096, %dma_start3A_1110, %dma_start3A_1111] : memref<200x4x128x8x128xf32, #tpu.memory_space<hbm>> -> memref<1x1x4x8x128xf32, #tpu.memory_space<hbm>>
      %dma_start3A_1113 = tpu.memref_squeeze %dma_start3A_1112 : memref<1x1x4x8x128xf32, #tpu.memory_space<hbm>> -> memref<4x8x128xf32, #tpu.memory_space<hbm>>
      %dma_start3A_1114 = arith.constant 0 : i32
      %dma_start3A_1115 = arith.constant 0 : i32
      %dma_start3A_1116 = arith.constant 0 : i32
      %dma_start3A_1117 = tpu.memref_slice %arg7[%select_n3A_726, %dma_start3A_1097, %dma_start3A_1114, %dma_start3A_1115, %dma_start3A_1116] : memref<2x4x4x8x129xf32, #tpu.memory_space<vmem>> -> memref<1x1x4x8x128xf32, #tpu.memory_space<vmem>>
      %dma_start3A_1118 = tpu.memref_squeeze %dma_start3A_1117 : memref<1x1x4x8x128xf32, #tpu.memory_space<vmem>> -> memref<4x8x128xf32, #tpu.memory_space<vmem>>
      tpu.enqueue_dma source(%dma_start3A_1118 : memref<4x8x128xf32, #tpu.memory_space<vmem>>) target(%dma_start3A_1113 : memref<4x8x128xf32, #tpu.memory_space<hbm>>) target_semaphore(%dma_start3A_1109 : memref<!tpu.dma_semaphore, #tpu.memory_space<semaphore_mem>>)
      %jit3A_1119 = arith.constant 8 : i32
      %div3A_1120 = arith.divsi %scan3A_709, %jit3A_1119 : i32
      %sign3A_1121 = arith.constant 0 : i32
      %sign3A_1122 = arith.cmpi sgt, %scan3A_709, %sign3A_1121 : i32
      %sign3A_1123 = arith.extui %sign3A_1122 : i1 to i32
      %sign3A_1124 = arith.constant 0 : i32
      %sign3A_1125 = arith.cmpi slt, %scan3A_709, %sign3A_1124 : i32
      %sign3A_1126 = arith.extui %sign3A_1125 : i1 to i32
      %sign3A_1127 = arith.subi %sign3A_1123, %sign3A_1126 : i32
      %sign3A_1128 = arith.constant 0 : i32
      %sign3A_1129 = arith.cmpi sgt, %jit3A_1119, %sign3A_1128 : i32
      %sign3A_1130 = arith.extui %sign3A_1129 : i1 to i32
      %sign3A_1131 = arith.constant 0 : i32
      %sign3A_1132 = arith.cmpi slt, %jit3A_1119, %sign3A_1131 : i32
      %sign3A_1133 = arith.extui %sign3A_1132 : i1 to i32
      %sign3A_1134 = arith.subi %sign3A_1130, %sign3A_1133 : i32
      %ne3A_1135 = arith.cmpi ne, %sign3A_1127, %sign3A_1134 : i32
      %rem3A_1136 = arith.remsi %scan3A_709, %jit3A_1119 : i32
      %ne3A_1137 = arith.constant 0 : i32
      %ne3A_1138 = arith.cmpi ne, %rem3A_1136, %ne3A_1137 : i32
      %and3A_1139 = arith.andi %ne3A_1135, %ne3A_1138 : i1
      %sub3A_1140 = arith.constant 1 : i32
      %sub3A_1141 = arith.subi %div3A_1120, %sub3A_1140 : i32
      %select_n3A_1142 = arith.select %and3A_1139, %sub3A_1141, %div3A_1120 : i32
      %jit3A_1143 = arith.constant 8 : i32
      %eq3A_1144 = arith.constant 0 : i32
      %eq3A_1145 = arith.cmpi eq, %jit3A_1143, %eq3A_1144 : i32
      %jit3A_1146 = arith.constant 1 : i32
      %select_n3A_1147 = arith.select %eq3A_1145, %jit3A_1146, %jit3A_1143 : i32
      %rem3A_1148 = arith.remsi %scan3A_709, %select_n3A_1147 : i32
      %ne3A_1149 = arith.constant 0 : i32
      %ne3A_1150 = arith.cmpi ne, %rem3A_1148, %ne3A_1149 : i32
      %lt3A_1151 = arith.constant 0 : i32
      %lt3A_1152 = arith.cmpi slt, %rem3A_1148, %lt3A_1151 : i32
      %lt3A_1153 = arith.constant 0 : i32
      %lt3A_1154 = arith.cmpi slt, %select_n3A_1147, %lt3A_1153 : i32
      %ne3A_1155 = arith.xori %lt3A_1152, %lt3A_1154 : i1
      %and3A_1156 = arith.andi %ne3A_1155, %ne3A_1150 : i1
      %add3A_1157 = arith.addi %rem3A_1148, %select_n3A_1147 : i32
      %select_n3A_1158 = arith.select %and3A_1156, %add3A_1157, %rem3A_1148 : i32
      %add3A_1159 = arith.addi %mul3A_2, %select_n3A_1142 : i32
      %jit3A_1160 = arith.constant 4 : i32
      %div3A_1161 = arith.divsi %add3A_1159, %jit3A_1160 : i32
      %sign3A_1162 = arith.constant 0 : i32
      %sign3A_1163 = arith.cmpi sgt, %add3A_1159, %sign3A_1162 : i32
      %sign3A_1164 = arith.extui %sign3A_1163 : i1 to i32
      %sign3A_1165 = arith.constant 0 : i32
      %sign3A_1166 = arith.cmpi slt, %add3A_1159, %sign3A_1165 : i32
      %sign3A_1167 = arith.extui %sign3A_1166 : i1 to i32
      %sign3A_1168 = arith.subi %sign3A_1164, %sign3A_1167 : i32
      %sign3A_1169 = arith.constant 0 : i32
      %sign3A_1170 = arith.cmpi sgt, %jit3A_1160, %sign3A_1169 : i32
      %sign3A_1171 = arith.extui %sign3A_1170 : i1 to i32
      %sign3A_1172 = arith.constant 0 : i32
      %sign3A_1173 = arith.cmpi slt, %jit3A_1160, %sign3A_1172 : i32
      %sign3A_1174 = arith.extui %sign3A_1173 : i1 to i32
      %sign3A_1175 = arith.subi %sign3A_1171, %sign3A_1174 : i32
      %ne3A_1176 = arith.cmpi ne, %sign3A_1168, %sign3A_1175 : i32
      %rem3A_1177 = arith.remsi %add3A_1159, %jit3A_1160 : i32
      %ne3A_1178 = arith.constant 0 : i32
      %ne3A_1179 = arith.cmpi ne, %rem3A_1177, %ne3A_1178 : i32
      %and3A_1180 = arith.andi %ne3A_1176, %ne3A_1179 : i1
      %sub3A_1181 = arith.constant 1 : i32
      %sub3A_1182 = arith.subi %div3A_1161, %sub3A_1181 : i32
      %select_n3A_1183 = arith.select %and3A_1180, %sub3A_1182, %div3A_1161 : i32
      %jit3A_1184 = arith.constant 4 : i32
      %eq3A_1185 = arith.constant 0 : i32
      %eq3A_1186 = arith.cmpi eq, %jit3A_1184, %eq3A_1185 : i32
      %jit3A_1187 = arith.constant 1 : i32
      %select_n3A_1188 = arith.select %eq3A_1186, %jit3A_1187, %jit3A_1184 : i32
      %rem3A_1189 = arith.remsi %add3A_1159, %select_n3A_1188 : i32
      %ne3A_1190 = arith.constant 0 : i32
      %ne3A_1191 = arith.cmpi ne, %rem3A_1189, %ne3A_1190 : i32
      %lt3A_1192 = arith.constant 0 : i32
      %lt3A_1193 = arith.cmpi slt, %rem3A_1189, %lt3A_1192 : i32
      %lt3A_1194 = arith.constant 0 : i32
      %lt3A_1195 = arith.cmpi slt, %select_n3A_1188, %lt3A_1194 : i32
      %ne3A_1196 = arith.xori %lt3A_1193, %lt3A_1195 : i1
      %and3A_1197 = arith.andi %ne3A_1196, %ne3A_1191 : i1
      %add3A_1198 = arith.addi %rem3A_1189, %select_n3A_1188 : i32
      %select_n3A_1199 = arith.select %and3A_1197, %add3A_1198, %rem3A_1189 : i32
      %mul3A_1200 = arith.constant 32 : i32
      %mul3A_1201 = arith.muli %select_n3A_1199, %mul3A_1200 : i32
      %mul3A_1202 = arith.constant 4 : i32
      %mul3A_1203 = arith.muli %select_n3A_1158, %mul3A_1202 : i32
      %add3A_1204 = arith.addi %mul3A_1201, %mul3A_1203 : i32
      %dma_start3A_1205 = arith.constant 2 : i32
      %dma_start3A_1206 = arith.constant 2 : i32
      %dma_start3A_1207 = arith.constant 0 : i32
      %dma_start3A_1208 = arith.constant 0 : i32
      %dma_start3A_1209 = arith.constant 0 : i32
      %dma_start3A_1210 = tpu.memref_slice %arg7[%select_n3A_726, %dma_start3A_1205, %dma_start3A_1207, %dma_start3A_1208, %dma_start3A_1209] : memref<2x4x4x8x129xf32, #tpu.memory_space<vmem>> -> memref<1x1x4x8x128xf32, #tpu.memory_space<vmem>>
      %dma_start3A_1211 = tpu.memref_squeeze %dma_start3A_1210 : memref<1x1x4x8x128xf32, #tpu.memory_space<vmem>> -> memref<4x8x128xf32, #tpu.memory_space<vmem>>
      %dma_start3A_1212 = arith.constant 0 : i32
      %dma_start3A_1213 = arith.constant 0 : i32
      %dma_start3A_1214 = tpu.memref_slice %arg4[%select_n3A_1183, %dma_start3A_1206, %add3A_1204, %dma_start3A_1212, %dma_start3A_1213] : memref<200x4x128x8x128xf32, #tpu.memory_space<hbm>> -> memref<1x1x4x8x128xf32, #tpu.memory_space<hbm>>
      %dma_start3A_1215 = tpu.memref_squeeze %dma_start3A_1214 : memref<1x1x4x8x128xf32, #tpu.memory_space<hbm>> -> memref<4x8x128xf32, #tpu.memory_space<hbm>>
      %dma_start3A_1216 = tpu.memref_slice %arg10[%select_n3A_726] : memref<2x!tpu.dma_semaphore, #tpu.memory_space<semaphore_mem>> -> memref<1x!tpu.dma_semaphore, #tpu.memory_space<semaphore_mem>>
      %dma_start3A_1217 = tpu.memref_squeeze %dma_start3A_1216 : memref<1x!tpu.dma_semaphore, #tpu.memory_space<semaphore_mem>> -> memref<!tpu.dma_semaphore, #tpu.memory_space<semaphore_mem>>
      %dma_start3A_1218 = arith.constant 0 : i32
      %dma_start3A_1219 = arith.constant 0 : i32
      %dma_start3A_1220 = tpu.memref_slice %arg4[%select_n3A_1183, %dma_start3A_1206, %add3A_1204, %dma_start3A_1218, %dma_start3A_1219] : memref<200x4x128x8x128xf32, #tpu.memory_space<hbm>> -> memref<1x1x4x8x128xf32, #tpu.memory_space<hbm>>
      %dma_start3A_1221 = tpu.memref_squeeze %dma_start3A_1220 : memref<1x1x4x8x128xf32, #tpu.memory_space<hbm>> -> memref<4x8x128xf32, #tpu.memory_space<hbm>>
      %dma_start3A_1222 = arith.constant 0 : i32
      %dma_start3A_1223 = arith.constant 0 : i32
      %dma_start3A_1224 = arith.constant 0 : i32
      %dma_start3A_1225 = tpu.memref_slice %arg7[%select_n3A_726, %dma_start3A_1205, %dma_start3A_1222, %dma_start3A_1223, %dma_start3A_1224] : memref<2x4x4x8x129xf32, #tpu.memory_space<vmem>> -> memref<1x1x4x8x128xf32, #tpu.memory_space<vmem>>
      %dma_start3A_1226 = tpu.memref_squeeze %dma_start3A_1225 : memref<1x1x4x8x128xf32, #tpu.memory_space<vmem>> -> memref<4x8x128xf32, #tpu.memory_space<vmem>>
      tpu.enqueue_dma source(%dma_start3A_1226 : memref<4x8x128xf32, #tpu.memory_space<vmem>>) target(%dma_start3A_1221 : memref<4x8x128xf32, #tpu.memory_space<hbm>>) target_semaphore(%dma_start3A_1217 : memref<!tpu.dma_semaphore, #tpu.memory_space<semaphore_mem>>)
      %jit3A_1227 = arith.constant 8 : i32
      %div3A_1228 = arith.divsi %scan3A_709, %jit3A_1227 : i32
      %sign3A_1229 = arith.constant 0 : i32
      %sign3A_1230 = arith.cmpi sgt, %scan3A_709, %sign3A_1229 : i32
      %sign3A_1231 = arith.extui %sign3A_1230 : i1 to i32
      %sign3A_1232 = arith.constant 0 : i32
      %sign3A_1233 = arith.cmpi slt, %scan3A_709, %sign3A_1232 : i32
      %sign3A_1234 = arith.extui %sign3A_1233 : i1 to i32
      %sign3A_1235 = arith.subi %sign3A_1231, %sign3A_1234 : i32
      %sign3A_1236 = arith.constant 0 : i32
      %sign3A_1237 = arith.cmpi sgt, %jit3A_1227, %sign3A_1236 : i32
      %sign3A_1238 = arith.extui %sign3A_1237 : i1 to i32
      %sign3A_1239 = arith.constant 0 : i32
      %sign3A_1240 = arith.cmpi slt, %jit3A_1227, %sign3A_1239 : i32
      %sign3A_1241 = arith.extui %sign3A_1240 : i1 to i32
      %sign3A_1242 = arith.subi %sign3A_1238, %sign3A_1241 : i32
      %ne3A_1243 = arith.cmpi ne, %sign3A_1235, %sign3A_1242 : i32
      %rem3A_1244 = arith.remsi %scan3A_709, %jit3A_1227 : i32
      %ne3A_1245 = arith.constant 0 : i32
      %ne3A_1246 = arith.cmpi ne, %rem3A_1244, %ne3A_1245 : i32
      %and3A_1247 = arith.andi %ne3A_1243, %ne3A_1246 : i1
      %sub3A_1248 = arith.constant 1 : i32
      %sub3A_1249 = arith.subi %div3A_1228, %sub3A_1248 : i32
      %select_n3A_1250 = arith.select %and3A_1247, %sub3A_1249, %div3A_1228 : i32
      %jit3A_1251 = arith.constant 8 : i32
      %eq3A_1252 = arith.constant 0 : i32
      %eq3A_1253 = arith.cmpi eq, %jit3A_1251, %eq3A_1252 : i32
      %jit3A_1254 = arith.constant 1 : i32
      %select_n3A_1255 = arith.select %eq3A_1253, %jit3A_1254, %jit3A_1251 : i32
      %rem3A_1256 = arith.remsi %scan3A_709, %select_n3A_1255 : i32
      %ne3A_1257 = arith.constant 0 : i32
      %ne3A_1258 = arith.cmpi ne, %rem3A_1256, %ne3A_1257 : i32
      %lt3A_1259 = arith.constant 0 : i32
      %lt3A_1260 = arith.cmpi slt, %rem3A_1256, %lt3A_1259 : i32
      %lt3A_1261 = arith.constant 0 : i32
      %lt3A_1262 = arith.cmpi slt, %select_n3A_1255, %lt3A_1261 : i32
      %ne3A_1263 = arith.xori %lt3A_1260, %lt3A_1262 : i1
      %and3A_1264 = arith.andi %ne3A_1263, %ne3A_1258 : i1
      %add3A_1265 = arith.addi %rem3A_1256, %select_n3A_1255 : i32
      %select_n3A_1266 = arith.select %and3A_1264, %add3A_1265, %rem3A_1256 : i32
      %add3A_1267 = arith.addi %mul3A_2, %select_n3A_1250 : i32
      %jit3A_1268 = arith.constant 4 : i32
      %div3A_1269 = arith.divsi %add3A_1267, %jit3A_1268 : i32
      %sign3A_1270 = arith.constant 0 : i32
      %sign3A_1271 = arith.cmpi sgt, %add3A_1267, %sign3A_1270 : i32
      %sign3A_1272 = arith.extui %sign3A_1271 : i1 to i32
      %sign3A_1273 = arith.constant 0 : i32
      %sign3A_1274 = arith.cmpi slt, %add3A_1267, %sign3A_1273 : i32
      %sign3A_1275 = arith.extui %sign3A_1274 : i1 to i32
      %sign3A_1276 = arith.subi %sign3A_1272, %sign3A_1275 : i32
      %sign3A_1277 = arith.constant 0 : i32
      %sign3A_1278 = arith.cmpi sgt, %jit3A_1268, %sign3A_1277 : i32
      %sign3A_1279 = arith.extui %sign3A_1278 : i1 to i32
      %sign3A_1280 = arith.constant 0 : i32
      %sign3A_1281 = arith.cmpi slt, %jit3A_1268, %sign3A_1280 : i32
      %sign3A_1282 = arith.extui %sign3A_1281 : i1 to i32
      %sign3A_1283 = arith.subi %sign3A_1279, %sign3A_1282 : i32
      %ne3A_1284 = arith.cmpi ne, %sign3A_1276, %sign3A_1283 : i32
      %rem3A_1285 = arith.remsi %add3A_1267, %jit3A_1268 : i32
      %ne3A_1286 = arith.constant 0 : i32
      %ne3A_1287 = arith.cmpi ne, %rem3A_1285, %ne3A_1286 : i32
      %and3A_1288 = arith.andi %ne3A_1284, %ne3A_1287 : i1
      %sub3A_1289 = arith.constant 1 : i32
      %sub3A_1290 = arith.subi %div3A_1269, %sub3A_1289 : i32
      %select_n3A_1291 = arith.select %and3A_1288, %sub3A_1290, %div3A_1269 : i32
      %jit3A_1292 = arith.constant 4 : i32
      %eq3A_1293 = arith.constant 0 : i32
      %eq3A_1294 = arith.cmpi eq, %jit3A_1292, %eq3A_1293 : i32
      %jit3A_1295 = arith.constant 1 : i32
      %select_n3A_1296 = arith.select %eq3A_1294, %jit3A_1295, %jit3A_1292 : i32
      %rem3A_1297 = arith.remsi %add3A_1267, %select_n3A_1296 : i32
      %ne3A_1298 = arith.constant 0 : i32
      %ne3A_1299 = arith.cmpi ne, %rem3A_1297, %ne3A_1298 : i32
      %lt3A_1300 = arith.constant 0 : i32
      %lt3A_1301 = arith.cmpi slt, %rem3A_1297, %lt3A_1300 : i32
      %lt3A_1302 = arith.constant 0 : i32
      %lt3A_1303 = arith.cmpi slt, %select_n3A_1296, %lt3A_1302 : i32
      %ne3A_1304 = arith.xori %lt3A_1301, %lt3A_1303 : i1
      %and3A_1305 = arith.andi %ne3A_1304, %ne3A_1299 : i1
      %add3A_1306 = arith.addi %rem3A_1297, %select_n3A_1296 : i32
      %select_n3A_1307 = arith.select %and3A_1305, %add3A_1306, %rem3A_1297 : i32
      %mul3A_1308 = arith.constant 32 : i32
      %mul3A_1309 = arith.muli %select_n3A_1307, %mul3A_1308 : i32
      %mul3A_1310 = arith.constant 4 : i32
      %mul3A_1311 = arith.muli %select_n3A_1266, %mul3A_1310 : i32
      %add3A_1312 = arith.addi %mul3A_1309, %mul3A_1311 : i32
      %dma_start3A_1313 = arith.constant 3 : i32
      %dma_start3A_1314 = arith.constant 3 : i32
      %dma_start3A_1315 = arith.constant 0 : i32
      %dma_start3A_1316 = arith.constant 0 : i32
      %dma_start3A_1317 = arith.constant 0 : i32
      %dma_start3A_1318 = tpu.memref_slice %arg7[%select_n3A_726, %dma_start3A_1313, %dma_start3A_1315, %dma_start3A_1316, %dma_start3A_1317] : memref<2x4x4x8x129xf32, #tpu.memory_space<vmem>> -> memref<1x1x4x8x128xf32, #tpu.memory_space<vmem>>
      %dma_start3A_1319 = tpu.memref_squeeze %dma_start3A_1318 : memref<1x1x4x8x128xf32, #tpu.memory_space<vmem>> -> memref<4x8x128xf32, #tpu.memory_space<vmem>>
      %dma_start3A_1320 = arith.constant 0 : i32
      %dma_start3A_1321 = arith.constant 0 : i32
      %dma_start3A_1322 = tpu.memref_slice %arg4[%select_n3A_1291, %dma_start3A_1314, %add3A_1312, %dma_start3A_1320, %dma_start3A_1321] : memref<200x4x128x8x128xf32, #tpu.memory_space<hbm>> -> memref<1x1x4x8x128xf32, #tpu.memory_space<hbm>>
      %dma_start3A_1323 = tpu.memref_squeeze %dma_start3A_1322 : memref<1x1x4x8x128xf32, #tpu.memory_space<hbm>> -> memref<4x8x128xf32, #tpu.memory_space<hbm>>
      %dma_start3A_1324 = tpu.memref_slice %arg10[%select_n3A_726] : memref<2x!tpu.dma_semaphore, #tpu.memory_space<semaphore_mem>> -> memref<1x!tpu.dma_semaphore, #tpu.memory_space<semaphore_mem>>
      %dma_start3A_1325 = tpu.memref_squeeze %dma_start3A_1324 : memref<1x!tpu.dma_semaphore, #tpu.memory_space<semaphore_mem>> -> memref<!tpu.dma_semaphore, #tpu.memory_space<semaphore_mem>>
      %dma_start3A_1326 = arith.constant 0 : i32
      %dma_start3A_1327 = arith.constant 0 : i32
      %dma_start3A_1328 = tpu.memref_slice %arg4[%select_n3A_1291, %dma_start3A_1314, %add3A_1312, %dma_start3A_1326, %dma_start3A_1327] : memref<200x4x128x8x128xf32, #tpu.memory_space<hbm>> -> memref<1x1x4x8x128xf32, #tpu.memory_space<hbm>>
      %dma_start3A_1329 = tpu.memref_squeeze %dma_start3A_1328 : memref<1x1x4x8x128xf32, #tpu.memory_space<hbm>> -> memref<4x8x128xf32, #tpu.memory_space<hbm>>
      %dma_start3A_1330 = arith.constant 0 : i32
      %dma_start3A_1331 = arith.constant 0 : i32
      %dma_start3A_1332 = arith.constant 0 : i32
      %dma_start3A_1333 = tpu.memref_slice %arg7[%select_n3A_726, %dma_start3A_1313, %dma_start3A_1330, %dma_start3A_1331, %dma_start3A_1332] : memref<2x4x4x8x129xf32, #tpu.memory_space<vmem>> -> memref<1x1x4x8x128xf32, #tpu.memory_space<vmem>>
      %dma_start3A_1334 = tpu.memref_squeeze %dma_start3A_1333 : memref<1x1x4x8x128xf32, #tpu.memory_space<vmem>> -> memref<4x8x128xf32, #tpu.memory_space<vmem>>
      tpu.enqueue_dma source(%dma_start3A_1334 : memref<4x8x128xf32, #tpu.memory_space<vmem>>) target(%dma_start3A_1329 : memref<4x8x128xf32, #tpu.memory_space<hbm>>) target_semaphore(%dma_start3A_1325 : memref<!tpu.dma_semaphore, #tpu.memory_space<semaphore_mem>>)
      %scan3A_1335 = arith.constant 0 : i32
      scf.yield %scan3A_1335 : i32
    }
    %scan3A_149 = arith.constant 200 : i32
    %add3A_150 = arith.constant 24 : i32
    %add3A_151 = arith.addi %mul3A_2, %add3A_150 : i32
    %jit3A_152 = arith.constant 4 : i32
    %div3A_153 = arith.divsi %add3A_151, %jit3A_152 : i32
    %sign3A_154 = arith.constant 0 : i32
    %sign3A_155 = arith.cmpi sgt, %add3A_151, %sign3A_154 : i32
    %sign3A_156 = arith.extui %sign3A_155 : i1 to i32
    %sign3A_157 = arith.constant 0 : i32
    %sign3A_158 = arith.cmpi slt, %add3A_151, %sign3A_157 : i32
    %sign3A_159 = arith.extui %sign3A_158 : i1 to i32
    %sign3A_160 = arith.subi %sign3A_156, %sign3A_159 : i32
    %sign3A_161 = arith.constant 0 : i32
    %sign3A_162 = arith.cmpi sgt, %jit3A_152, %sign3A_161 : i32
    %sign3A_163 = arith.extui %sign3A_162 : i1 to i32
    %sign3A_164 = arith.constant 0 : i32
    %sign3A_165 = arith.cmpi slt, %jit3A_152, %sign3A_164 : i32
    %sign3A_166 = arith.extui %sign3A_165 : i1 to i32
    %sign3A_167 = arith.subi %sign3A_163, %sign3A_166 : i32
    %ne3A_168 = arith.cmpi ne, %sign3A_160, %sign3A_167 : i32
    %rem3A_169 = arith.remsi %add3A_151, %jit3A_152 : i32
    %ne3A_170 = arith.constant 0 : i32
    %ne3A_171 = arith.cmpi ne, %rem3A_169, %ne3A_170 : i32
    %and3A_172 = arith.andi %ne3A_168, %ne3A_171 : i1
    %sub3A_173 = arith.constant 1 : i32
    %sub3A_174 = arith.subi %div3A_153, %sub3A_173 : i32
    %select_n3A_175 = arith.select %and3A_172, %sub3A_174, %div3A_153 : i32
    %jit3A_176 = arith.constant 4 : i32
    %eq3A_177 = arith.constant 0 : i32
    %eq3A_178 = arith.cmpi eq, %jit3A_176, %eq3A_177 : i32
    %jit3A_179 = arith.constant 1 : i32
    %select_n3A_180 = arith.select %eq3A_178, %jit3A_179, %jit3A_176 : i32
    %rem3A_181 = arith.remsi %add3A_151, %select_n3A_180 : i32
    %ne3A_182 = arith.constant 0 : i32
    %ne3A_183 = arith.cmpi ne, %rem3A_181, %ne3A_182 : i32
    %lt3A_184 = arith.constant 0 : i32
    %lt3A_185 = arith.cmpi slt, %rem3A_181, %lt3A_184 : i32
    %lt3A_186 = arith.constant 0 : i32
    %lt3A_187 = arith.cmpi slt, %select_n3A_180, %lt3A_186 : i32
    %ne3A_188 = arith.xori %lt3A_185, %lt3A_187 : i1
    %and3A_189 = arith.andi %ne3A_188, %ne3A_183 : i1
    %add3A_190 = arith.addi %rem3A_181, %select_n3A_180 : i32
    %select_n3A_191 = arith.select %and3A_189, %add3A_190, %rem3A_181 : i32
    %mul3A_192 = arith.constant 32 : i32
    %mul3A_193 = arith.muli %select_n3A_191, %mul3A_192 : i32
    %add3A_194 = arith.constant 24 : i32
    %add3A_195 = arith.addi %mul3A_193, %add3A_194 : i32
    %dma_wait3A = arith.constant 0 : i32
    %dma_wait3A_196 = arith.constant 0 : i32
    %dma_wait3A_197 = arith.constant 0 : i32
    %dma_wait3A_198 = arith.constant 0 : i32
    %dma_wait3A_199 = arith.constant 0 : i32
    %dma_wait3A_200 = arith.constant 0 : i32
    %dma_wait3A_201 = arith.constant 0 : i32
    %dma_wait3A_202 = tpu.memref_slice %arg7[%dma_wait3A, %dma_wait3A_196, %dma_wait3A_199, %dma_wait3A_200, %dma_wait3A_201] : memref<2x4x4x8x129xf32, #tpu.memory_space<vmem>> -> memref<1x1x4x8x128xf32, #tpu.memory_space<vmem>>
    %dma_wait3A_203 = tpu.memref_squeeze %dma_wait3A_202 : memref<1x1x4x8x128xf32, #tpu.memory_space<vmem>> -> memref<4x8x128xf32, #tpu.memory_space<vmem>>
    %dma_wait3A_204 = arith.constant 0 : i32
    %dma_wait3A_205 = arith.constant 0 : i32
    %dma_wait3A_206 = tpu.memref_slice %arg4[%select_n3A_175, %dma_wait3A_197, %add3A_195, %dma_wait3A_204, %dma_wait3A_205] : memref<200x4x128x8x128xf32, #tpu.memory_space<hbm>> -> memref<1x1x4x8x128xf32, #tpu.memory_space<hbm>>
    %dma_wait3A_207 = tpu.memref_squeeze %dma_wait3A_206 : memref<1x1x4x8x128xf32, #tpu.memory_space<hbm>> -> memref<4x8x128xf32, #tpu.memory_space<hbm>>
    %dma_wait3A_208 = tpu.memref_slice %arg10[%dma_wait3A_198] : memref<2x!tpu.dma_semaphore, #tpu.memory_space<semaphore_mem>> -> memref<1x!tpu.dma_semaphore, #tpu.memory_space<semaphore_mem>>
    %dma_wait3A_209 = tpu.memref_squeeze %dma_wait3A_208 : memref<1x!tpu.dma_semaphore, #tpu.memory_space<semaphore_mem>> -> memref<!tpu.dma_semaphore, #tpu.memory_space<semaphore_mem>>
    %dma_wait3A_210 = arith.constant 0 : i32
    %dma_wait3A_211 = arith.constant 0 : i32
    %dma_wait3A_212 = tpu.memref_slice %arg4[%select_n3A_175, %dma_wait3A_197, %add3A_195, %dma_wait3A_210, %dma_wait3A_211] : memref<200x4x128x8x128xf32, #tpu.memory_space<hbm>> -> memref<1x1x4x8x128xf32, #tpu.memory_space<hbm>>
    %dma_wait3A_213 = tpu.memref_squeeze %dma_wait3A_212 : memref<1x1x4x8x128xf32, #tpu.memory_space<hbm>> -> memref<4x8x128xf32, #tpu.memory_space<hbm>>
    %dma_wait3A_214 = arith.constant 0 : i32
    %dma_wait3A_215 = arith.constant 0 : i32
    %dma_wait3A_216 = arith.constant 0 : i32
    %dma_wait3A_217 = tpu.memref_slice %arg7[%dma_wait3A, %dma_wait3A_196, %dma_wait3A_214, %dma_wait3A_215, %dma_wait3A_216] : memref<2x4x4x8x129xf32, #tpu.memory_space<vmem>> -> memref<1x1x4x8x128xf32, #tpu.memory_space<vmem>>
    %dma_wait3A_218 = tpu.memref_squeeze %dma_wait3A_217 : memref<1x1x4x8x128xf32, #tpu.memory_space<vmem>> -> memref<4x8x128xf32, #tpu.memory_space<vmem>>
    tpu.wait_dma2 semaphore(%dma_wait3A_209 : memref<!tpu.dma_semaphore, #tpu.memory_space<semaphore_mem>>) src(%dma_wait3A_218 : memref<4x8x128xf32, #tpu.memory_space<vmem>>) dst(%dma_wait3A_213 : memref<4x8x128xf32, #tpu.memory_space<hbm>>)
    %add3A_219 = arith.constant 24 : i32
    %add3A_220 = arith.addi %mul3A_2, %add3A_219 : i32
    %jit3A_221 = arith.constant 4 : i32
    %div3A_222 = arith.divsi %add3A_220, %jit3A_221 : i32
    %sign3A_223 = arith.constant 0 : i32
    %sign3A_224 = arith.cmpi sgt, %add3A_220, %sign3A_223 : i32
    %sign3A_225 = arith.extui %sign3A_224 : i1 to i32
    %sign3A_226 = arith.constant 0 : i32
    %sign3A_227 = arith.cmpi slt, %add3A_220, %sign3A_226 : i32
    %sign3A_228 = arith.extui %sign3A_227 : i1 to i32
    %sign3A_229 = arith.subi %sign3A_225, %sign3A_228 : i32
    %sign3A_230 = arith.constant 0 : i32
    %sign3A_231 = arith.cmpi sgt, %jit3A_221, %sign3A_230 : i32
    %sign3A_232 = arith.extui %sign3A_231 : i1 to i32
    %sign3A_233 = arith.constant 0 : i32
    %sign3A_234 = arith.cmpi slt, %jit3A_221, %sign3A_233 : i32
    %sign3A_235 = arith.extui %sign3A_234 : i1 to i32
    %sign3A_236 = arith.subi %sign3A_232, %sign3A_235 : i32
    %ne3A_237 = arith.cmpi ne, %sign3A_229, %sign3A_236 : i32
    %rem3A_238 = arith.remsi %add3A_220, %jit3A_221 : i32
    %ne3A_239 = arith.constant 0 : i32
    %ne3A_240 = arith.cmpi ne, %rem3A_238, %ne3A_239 : i32
    %and3A_241 = arith.andi %ne3A_237, %ne3A_240 : i1
    %sub3A_242 = arith.constant 1 : i32
    %sub3A_243 = arith.subi %div3A_222, %sub3A_242 : i32
    %select_n3A_244 = arith.select %and3A_241, %sub3A_243, %div3A_222 : i32
    %jit3A_245 = arith.constant 4 : i32
    %eq3A_246 = arith.constant 0 : i32
    %eq3A_247 = arith.cmpi eq, %jit3A_245, %eq3A_246 : i32
    %jit3A_248 = arith.constant 1 : i32
    %select_n3A_249 = arith.select %eq3A_247, %jit3A_248, %jit3A_245 : i32
    %rem3A_250 = arith.remsi %add3A_220, %select_n3A_249 : i32
    %ne3A_251 = arith.constant 0 : i32
    %ne3A_252 = arith.cmpi ne, %rem3A_250, %ne3A_251 : i32
    %lt3A_253 = arith.constant 0 : i32
    %lt3A_254 = arith.cmpi slt, %rem3A_250, %lt3A_253 : i32
    %lt3A_255 = arith.constant 0 : i32
    %lt3A_256 = arith.cmpi slt, %select_n3A_249, %lt3A_255 : i32
    %ne3A_257 = arith.xori %lt3A_254, %lt3A_256 : i1
    %and3A_258 = arith.andi %ne3A_257, %ne3A_252 : i1
    %add3A_259 = arith.addi %rem3A_250, %select_n3A_249 : i32
    %select_n3A_260 = arith.select %and3A_258, %add3A_259, %rem3A_250 : i32
    %mul3A_261 = arith.constant 32 : i32
    %mul3A_262 = arith.muli %select_n3A_260, %mul3A_261 : i32
    %add3A_263 = arith.constant 24 : i32
    %add3A_264 = arith.addi %mul3A_262, %add3A_263 : i32
    %dma_wait3A_265 = arith.constant 0 : i32
    %dma_wait3A_266 = arith.constant 1 : i32
    %dma_wait3A_267 = arith.constant 1 : i32
    %dma_wait3A_268 = arith.constant 0 : i32
    %dma_wait3A_269 = arith.constant 0 : i32
    %dma_wait3A_270 = arith.constant 0 : i32
    %dma_wait3A_271 = arith.constant 0 : i32
    %dma_wait3A_272 = tpu.memref_slice %arg7[%dma_wait3A_265, %dma_wait3A_266, %dma_wait3A_269, %dma_wait3A_270, %dma_wait3A_271] : memref<2x4x4x8x129xf32, #tpu.memory_space<vmem>> -> memref<1x1x4x8x128xf32, #tpu.memory_space<vmem>>
    %dma_wait3A_273 = tpu.memref_squeeze %dma_wait3A_272 : memref<1x1x4x8x128xf32, #tpu.memory_space<vmem>> -> memref<4x8x128xf32, #tpu.memory_space<vmem>>
    %dma_wait3A_274 = arith.constant 0 : i32
    %dma_wait3A_275 = arith.constant 0 : i32
    %dma_wait3A_276 = tpu.memref_slice %arg4[%select_n3A_244, %dma_wait3A_267, %add3A_264, %dma_wait3A_274, %dma_wait3A_275] : memref<200x4x128x8x128xf32, #tpu.memory_space<hbm>> -> memref<1x1x4x8x128xf32, #tpu.memory_space<hbm>>
    %dma_wait3A_277 = tpu.memref_squeeze %dma_wait3A_276 : memref<1x1x4x8x128xf32, #tpu.memory_space<hbm>> -> memref<4x8x128xf32, #tpu.memory_space<hbm>>
    %dma_wait3A_278 = tpu.memref_slice %arg10[%dma_wait3A_268] : memref<2x!tpu.dma_semaphore, #tpu.memory_space<semaphore_mem>> -> memref<1x!tpu.dma_semaphore, #tpu.memory_space<semaphore_mem>>
    %dma_wait3A_279 = tpu.memref_squeeze %dma_wait3A_278 : memref<1x!tpu.dma_semaphore, #tpu.memory_space<semaphore_mem>> -> memref<!tpu.dma_semaphore, #tpu.memory_space<semaphore_mem>>
    %dma_wait3A_280 = arith.constant 0 : i32
    %dma_wait3A_281 = arith.constant 0 : i32
    %dma_wait3A_282 = tpu.memref_slice %arg4[%select_n3A_244, %dma_wait3A_267, %add3A_264, %dma_wait3A_280, %dma_wait3A_281] : memref<200x4x128x8x128xf32, #tpu.memory_space<hbm>> -> memref<1x1x4x8x128xf32, #tpu.memory_space<hbm>>
    %dma_wait3A_283 = tpu.memref_squeeze %dma_wait3A_282 : memref<1x1x4x8x128xf32, #tpu.memory_space<hbm>> -> memref<4x8x128xf32, #tpu.memory_space<hbm>>
    %dma_wait3A_284 = arith.constant 0 : i32
    %dma_wait3A_285 = arith.constant 0 : i32
    %dma_wait3A_286 = arith.constant 0 : i32
    %dma_wait3A_287 = tpu.memref_slice %arg7[%dma_wait3A_265, %dma_wait3A_266, %dma_wait3A_284, %dma_wait3A_285, %dma_wait3A_286] : memref<2x4x4x8x129xf32, #tpu.memory_space<vmem>> -> memref<1x1x4x8x128xf32, #tpu.memory_space<vmem>>
    %dma_wait3A_288 = tpu.memref_squeeze %dma_wait3A_287 : memref<1x1x4x8x128xf32, #tpu.memory_space<vmem>> -> memref<4x8x128xf32, #tpu.memory_space<vmem>>
    tpu.wait_dma2 semaphore(%dma_wait3A_279 : memref<!tpu.dma_semaphore, #tpu.memory_space<semaphore_mem>>) src(%dma_wait3A_288 : memref<4x8x128xf32, #tpu.memory_space<vmem>>) dst(%dma_wait3A_283 : memref<4x8x128xf32, #tpu.memory_space<hbm>>)
    %add3A_289 = arith.constant 24 : i32
    %add3A_290 = arith.addi %mul3A_2, %add3A_289 : i32
    %jit3A_291 = arith.constant 4 : i32
    %div3A_292 = arith.divsi %add3A_290, %jit3A_291 : i32
    %sign3A_293 = arith.constant 0 : i32
    %sign3A_294 = arith.cmpi sgt, %add3A_290, %sign3A_293 : i32
    %sign3A_295 = arith.extui %sign3A_294 : i1 to i32
    %sign3A_296 = arith.constant 0 : i32
    %sign3A_297 = arith.cmpi slt, %add3A_290, %sign3A_296 : i32
    %sign3A_298 = arith.extui %sign3A_297 : i1 to i32
    %sign3A_299 = arith.subi %sign3A_295, %sign3A_298 : i32
    %sign3A_300 = arith.constant 0 : i32
    %sign3A_301 = arith.cmpi sgt, %jit3A_291, %sign3A_300 : i32
    %sign3A_302 = arith.extui %sign3A_301 : i1 to i32
    %sign3A_303 = arith.constant 0 : i32
    %sign3A_304 = arith.cmpi slt, %jit3A_291, %sign3A_303 : i32
    %sign3A_305 = arith.extui %sign3A_304 : i1 to i32
    %sign3A_306 = arith.subi %sign3A_302, %sign3A_305 : i32
    %ne3A_307 = arith.cmpi ne, %sign3A_299, %sign3A_306 : i32
    %rem3A_308 = arith.remsi %add3A_290, %jit3A_291 : i32
    %ne3A_309 = arith.constant 0 : i32
    %ne3A_310 = arith.cmpi ne, %rem3A_308, %ne3A_309 : i32
    %and3A_311 = arith.andi %ne3A_307, %ne3A_310 : i1
    %sub3A_312 = arith.constant 1 : i32
    %sub3A_313 = arith.subi %div3A_292, %sub3A_312 : i32
    %select_n3A_314 = arith.select %and3A_311, %sub3A_313, %div3A_292 : i32
    %jit3A_315 = arith.constant 4 : i32
    %eq3A_316 = arith.constant 0 : i32
    %eq3A_317 = arith.cmpi eq, %jit3A_315, %eq3A_316 : i32
    %jit3A_318 = arith.constant 1 : i32
    %select_n3A_319 = arith.select %eq3A_317, %jit3A_318, %jit3A_315 : i32
    %rem3A_320 = arith.remsi %add3A_290, %select_n3A_319 : i32
    %ne3A_321 = arith.constant 0 : i32
    %ne3A_322 = arith.cmpi ne, %rem3A_320, %ne3A_321 : i32
    %lt3A_323 = arith.constant 0 : i32
    %lt3A_324 = arith.cmpi slt, %rem3A_320, %lt3A_323 : i32
    %lt3A_325 = arith.constant 0 : i32
    %lt3A_326 = arith.cmpi slt, %select_n3A_319, %lt3A_325 : i32
    %ne3A_327 = arith.xori %lt3A_324, %lt3A_326 : i1
    %and3A_328 = arith.andi %ne3A_327, %ne3A_322 : i1
    %add3A_329 = arith.addi %rem3A_320, %select_n3A_319 : i32
    %select_n3A_330 = arith.select %and3A_328, %add3A_329, %rem3A_320 : i32
    %mul3A_331 = arith.constant 32 : i32
    %mul3A_332 = arith.muli %select_n3A_330, %mul3A_331 : i32
    %add3A_333 = arith.constant 24 : i32
    %add3A_334 = arith.addi %mul3A_332, %add3A_333 : i32
    %dma_wait3A_335 = arith.constant 0 : i32
    %dma_wait3A_336 = arith.constant 2 : i32
    %dma_wait3A_337 = arith.constant 2 : i32
    %dma_wait3A_338 = arith.constant 0 : i32
    %dma_wait3A_339 = arith.constant 0 : i32
    %dma_wait3A_340 = arith.constant 0 : i32
    %dma_wait3A_341 = arith.constant 0 : i32
    %dma_wait3A_342 = tpu.memref_slice %arg7[%dma_wait3A_335, %dma_wait3A_336, %dma_wait3A_339, %dma_wait3A_340, %dma_wait3A_341] : memref<2x4x4x8x129xf32, #tpu.memory_space<vmem>> -> memref<1x1x4x8x128xf32, #tpu.memory_space<vmem>>
    %dma_wait3A_343 = tpu.memref_squeeze %dma_wait3A_342 : memref<1x1x4x8x128xf32, #tpu.memory_space<vmem>> -> memref<4x8x128xf32, #tpu.memory_space<vmem>>
    %dma_wait3A_344 = arith.constant 0 : i32
    %dma_wait3A_345 = arith.constant 0 : i32
    %dma_wait3A_346 = tpu.memref_slice %arg4[%select_n3A_314, %dma_wait3A_337, %add3A_334, %dma_wait3A_344, %dma_wait3A_345] : memref<200x4x128x8x128xf32, #tpu.memory_space<hbm>> -> memref<1x1x4x8x128xf32, #tpu.memory_space<hbm>>
    %dma_wait3A_347 = tpu.memref_squeeze %dma_wait3A_346 : memref<1x1x4x8x128xf32, #tpu.memory_space<hbm>> -> memref<4x8x128xf32, #tpu.memory_space<hbm>>
    %dma_wait3A_348 = tpu.memref_slice %arg10[%dma_wait3A_338] : memref<2x!tpu.dma_semaphore, #tpu.memory_space<semaphore_mem>> -> memref<1x!tpu.dma_semaphore, #tpu.memory_space<semaphore_mem>>
    %dma_wait3A_349 = tpu.memref_squeeze %dma_wait3A_348 : memref<1x!tpu.dma_semaphore, #tpu.memory_space<semaphore_mem>> -> memref<!tpu.dma_semaphore, #tpu.memory_space<semaphore_mem>>
    %dma_wait3A_350 = arith.constant 0 : i32
    %dma_wait3A_351 = arith.constant 0 : i32
    %dma_wait3A_352 = tpu.memref_slice %arg4[%select_n3A_314, %dma_wait3A_337, %add3A_334, %dma_wait3A_350, %dma_wait3A_351] : memref<200x4x128x8x128xf32, #tpu.memory_space<hbm>> -> memref<1x1x4x8x128xf32, #tpu.memory_space<hbm>>
    %dma_wait3A_353 = tpu.memref_squeeze %dma_wait3A_352 : memref<1x1x4x8x128xf32, #tpu.memory_space<hbm>> -> memref<4x8x128xf32, #tpu.memory_space<hbm>>
    %dma_wait3A_354 = arith.constant 0 : i32
    %dma_wait3A_355 = arith.constant 0 : i32
    %dma_wait3A_356 = arith.constant 0 : i32
    %dma_wait3A_357 = tpu.memref_slice %arg7[%dma_wait3A_335, %dma_wait3A_336, %dma_wait3A_354, %dma_wait3A_355, %dma_wait3A_356] : memref<2x4x4x8x129xf32, #tpu.memory_space<vmem>> -> memref<1x1x4x8x128xf32, #tpu.memory_space<vmem>>
    %dma_wait3A_358 = tpu.memref_squeeze %dma_wait3A_357 : memref<1x1x4x8x128xf32, #tpu.memory_space<vmem>> -> memref<4x8x128xf32, #tpu.memory_space<vmem>>
    tpu.wait_dma2 semaphore(%dma_wait3A_349 : memref<!tpu.dma_semaphore, #tpu.memory_space<semaphore_mem>>) src(%dma_wait3A_358 : memref<4x8x128xf32, #tpu.memory_space<vmem>>) dst(%dma_wait3A_353 : memref<4x8x128xf32, #tpu.memory_space<hbm>>)
    %add3A_359 = arith.constant 24 : i32
    %add3A_360 = arith.addi %mul3A_2, %add3A_359 : i32
    %jit3A_361 = arith.constant 4 : i32
    %div3A_362 = arith.divsi %add3A_360, %jit3A_361 : i32
    %sign3A_363 = arith.constant 0 : i32
    %sign3A_364 = arith.cmpi sgt, %add3A_360, %sign3A_363 : i32
    %sign3A_365 = arith.extui %sign3A_364 : i1 to i32
    %sign3A_366 = arith.constant 0 : i32
    %sign3A_367 = arith.cmpi slt, %add3A_360, %sign3A_366 : i32
    %sign3A_368 = arith.extui %sign3A_367 : i1 to i32
    %sign3A_369 = arith.subi %sign3A_365, %sign3A_368 : i32
    %sign3A_370 = arith.constant 0 : i32
    %sign3A_371 = arith.cmpi sgt, %jit3A_361, %sign3A_370 : i32
    %sign3A_372 = arith.extui %sign3A_371 : i1 to i32
    %sign3A_373 = arith.constant 0 : i32
    %sign3A_374 = arith.cmpi slt, %jit3A_361, %sign3A_373 : i32
    %sign3A_375 = arith.extui %sign3A_374 : i1 to i32
    %sign3A_376 = arith.subi %sign3A_372, %sign3A_375 : i32
    %ne3A_377 = arith.cmpi ne, %sign3A_369, %sign3A_376 : i32
    %rem3A_378 = arith.remsi %add3A_360, %jit3A_361 : i32
    %ne3A_379 = arith.constant 0 : i32
    %ne3A_380 = arith.cmpi ne, %rem3A_378, %ne3A_379 : i32
    %and3A_381 = arith.andi %ne3A_377, %ne3A_380 : i1
    %sub3A_382 = arith.constant 1 : i32
    %sub3A_383 = arith.subi %div3A_362, %sub3A_382 : i32
    %select_n3A_384 = arith.select %and3A_381, %sub3A_383, %div3A_362 : i32
    %jit3A_385 = arith.constant 4 : i32
    %eq3A_386 = arith.constant 0 : i32
    %eq3A_387 = arith.cmpi eq, %jit3A_385, %eq3A_386 : i32
    %jit3A_388 = arith.constant 1 : i32
    %select_n3A_389 = arith.select %eq3A_387, %jit3A_388, %jit3A_385 : i32
    %rem3A_390 = arith.remsi %add3A_360, %select_n3A_389 : i32
    %ne3A_391 = arith.constant 0 : i32
    %ne3A_392 = arith.cmpi ne, %rem3A_390, %ne3A_391 : i32
    %lt3A_393 = arith.constant 0 : i32
    %lt3A_394 = arith.cmpi slt, %rem3A_390, %lt3A_393 : i32
    %lt3A_395 = arith.constant 0 : i32
    %lt3A_396 = arith.cmpi slt, %select_n3A_389, %lt3A_395 : i32
    %ne3A_397 = arith.xori %lt3A_394, %lt3A_396 : i1
    %and3A_398 = arith.andi %ne3A_397, %ne3A_392 : i1
    %add3A_399 = arith.addi %rem3A_390, %select_n3A_389 : i32
    %select_n3A_400 = arith.select %and3A_398, %add3A_399, %rem3A_390 : i32
    %mul3A_401 = arith.constant 32 : i32
    %mul3A_402 = arith.muli %select_n3A_400, %mul3A_401 : i32
    %add3A_403 = arith.constant 24 : i32
    %add3A_404 = arith.addi %mul3A_402, %add3A_403 : i32
    %dma_wait3A_405 = arith.constant 0 : i32
    %dma_wait3A_406 = arith.constant 3 : i32
    %dma_wait3A_407 = arith.constant 3 : i32
    %dma_wait3A_408 = arith.constant 0 : i32
    %dma_wait3A_409 = arith.constant 0 : i32
    %dma_wait3A_410 = arith.constant 0 : i32
    %dma_wait3A_411 = arith.constant 0 : i32
    %dma_wait3A_412 = tpu.memref_slice %arg7[%dma_wait3A_405, %dma_wait3A_406, %dma_wait3A_409, %dma_wait3A_410, %dma_wait3A_411] : memref<2x4x4x8x129xf32, #tpu.memory_space<vmem>> -> memref<1x1x4x8x128xf32, #tpu.memory_space<vmem>>
    %dma_wait3A_413 = tpu.memref_squeeze %dma_wait3A_412 : memref<1x1x4x8x128xf32, #tpu.memory_space<vmem>> -> memref<4x8x128xf32, #tpu.memory_space<vmem>>
    %dma_wait3A_414 = arith.constant 0 : i32
    %dma_wait3A_415 = arith.constant 0 : i32
    %dma_wait3A_416 = tpu.memref_slice %arg4[%select_n3A_384, %dma_wait3A_407, %add3A_404, %dma_wait3A_414, %dma_wait3A_415] : memref<200x4x128x8x128xf32, #tpu.memory_space<hbm>> -> memref<1x1x4x8x128xf32, #tpu.memory_space<hbm>>
    %dma_wait3A_417 = tpu.memref_squeeze %dma_wait3A_416 : memref<1x1x4x8x128xf32, #tpu.memory_space<hbm>> -> memref<4x8x128xf32, #tpu.memory_space<hbm>>
    %dma_wait3A_418 = tpu.memref_slice %arg10[%dma_wait3A_408] : memref<2x!tpu.dma_semaphore, #tpu.memory_space<semaphore_mem>> -> memref<1x!tpu.dma_semaphore, #tpu.memory_space<semaphore_mem>>
    %dma_wait3A_419 = tpu.memref_squeeze %dma_wait3A_418 : memref<1x!tpu.dma_semaphore, #tpu.memory_space<semaphore_mem>> -> memref<!tpu.dma_semaphore, #tpu.memory_space<semaphore_mem>>
    %dma_wait3A_420 = arith.constant 0 : i32
    %dma_wait3A_421 = arith.constant 0 : i32
    %dma_wait3A_422 = tpu.memref_slice %arg4[%select_n3A_384, %dma_wait3A_407, %add3A_404, %dma_wait3A_420, %dma_wait3A_421] : memref<200x4x128x8x128xf32, #tpu.memory_space<hbm>> -> memref<1x1x4x8x128xf32, #tpu.memory_space<hbm>>
    %dma_wait3A_423 = tpu.memref_squeeze %dma_wait3A_422 : memref<1x1x4x8x128xf32, #tpu.memory_space<hbm>> -> memref<4x8x128xf32, #tpu.memory_space<hbm>>
    %dma_wait3A_424 = arith.constant 0 : i32
    %dma_wait3A_425 = arith.constant 0 : i32
    %dma_wait3A_426 = arith.constant 0 : i32
    %dma_wait3A_427 = tpu.memref_slice %arg7[%dma_wait3A_405, %dma_wait3A_406, %dma_wait3A_424, %dma_wait3A_425, %dma_wait3A_426] : memref<2x4x4x8x129xf32, #tpu.memory_space<vmem>> -> memref<1x1x4x8x128xf32, #tpu.memory_space<vmem>>
    %dma_wait3A_428 = tpu.memref_squeeze %dma_wait3A_427 : memref<1x1x4x8x128xf32, #tpu.memory_space<vmem>> -> memref<4x8x128xf32, #tpu.memory_space<vmem>>
    tpu.wait_dma2 semaphore(%dma_wait3A_419 : memref<!tpu.dma_semaphore, #tpu.memory_space<semaphore_mem>>) src(%dma_wait3A_428 : memref<4x8x128xf32, #tpu.memory_space<vmem>>) dst(%dma_wait3A_423 : memref<4x8x128xf32, #tpu.memory_space<hbm>>)
    %add3A_429 = arith.constant 24 : i32
    %add3A_430 = arith.addi %mul3A_2, %add3A_429 : i32
    %jit3A_431 = arith.constant 4 : i32
    %div3A_432 = arith.divsi %add3A_430, %jit3A_431 : i32
    %sign3A_433 = arith.constant 0 : i32
    %sign3A_434 = arith.cmpi sgt, %add3A_430, %sign3A_433 : i32
    %sign3A_435 = arith.extui %sign3A_434 : i1 to i32
    %sign3A_436 = arith.constant 0 : i32
    %sign3A_437 = arith.cmpi slt, %add3A_430, %sign3A_436 : i32
    %sign3A_438 = arith.extui %sign3A_437 : i1 to i32
    %sign3A_439 = arith.subi %sign3A_435, %sign3A_438 : i32
    %sign3A_440 = arith.constant 0 : i32
    %sign3A_441 = arith.cmpi sgt, %jit3A_431, %sign3A_440 : i32
    %sign3A_442 = arith.extui %sign3A_441 : i1 to i32
    %sign3A_443 = arith.constant 0 : i32
    %sign3A_444 = arith.cmpi slt, %jit3A_431, %sign3A_443 : i32
    %sign3A_445 = arith.extui %sign3A_444 : i1 to i32
    %sign3A_446 = arith.subi %sign3A_442, %sign3A_445 : i32
    %ne3A_447 = arith.cmpi ne, %sign3A_439, %sign3A_446 : i32
    %rem3A_448 = arith.remsi %add3A_430, %jit3A_431 : i32
    %ne3A_449 = arith.constant 0 : i32
    %ne3A_450 = arith.cmpi ne, %rem3A_448, %ne3A_449 : i32
    %and3A_451 = arith.andi %ne3A_447, %ne3A_450 : i1
    %sub3A_452 = arith.constant 1 : i32
    %sub3A_453 = arith.subi %div3A_432, %sub3A_452 : i32
    %select_n3A_454 = arith.select %and3A_451, %sub3A_453, %div3A_432 : i32
    %jit3A_455 = arith.constant 4 : i32
    %eq3A_456 = arith.constant 0 : i32
    %eq3A_457 = arith.cmpi eq, %jit3A_455, %eq3A_456 : i32
    %jit3A_458 = arith.constant 1 : i32
    %select_n3A_459 = arith.select %eq3A_457, %jit3A_458, %jit3A_455 : i32
    %rem3A_460 = arith.remsi %add3A_430, %select_n3A_459 : i32
    %ne3A_461 = arith.constant 0 : i32
    %ne3A_462 = arith.cmpi ne, %rem3A_460, %ne3A_461 : i32
    %lt3A_463 = arith.constant 0 : i32
    %lt3A_464 = arith.cmpi slt, %rem3A_460, %lt3A_463 : i32
    %lt3A_465 = arith.constant 0 : i32
    %lt3A_466 = arith.cmpi slt, %select_n3A_459, %lt3A_465 : i32
    %ne3A_467 = arith.xori %lt3A_464, %lt3A_466 : i1
    %and3A_468 = arith.andi %ne3A_467, %ne3A_462 : i1
    %add3A_469 = arith.addi %rem3A_460, %select_n3A_459 : i32
    %select_n3A_470 = arith.select %and3A_468, %add3A_469, %rem3A_460 : i32
    %mul3A_471 = arith.constant 32 : i32
    %mul3A_472 = arith.muli %select_n3A_470, %mul3A_471 : i32
    %add3A_473 = arith.constant 28 : i32
    %add3A_474 = arith.addi %mul3A_472, %add3A_473 : i32
    %dma_wait3A_475 = arith.constant 1 : i32
    %dma_wait3A_476 = arith.constant 0 : i32
    %dma_wait3A_477 = arith.constant 0 : i32
    %dma_wait3A_478 = arith.constant 1 : i32
    %dma_wait3A_479 = arith.constant 0 : i32
    %dma_wait3A_480 = arith.constant 0 : i32
    %dma_wait3A_481 = arith.constant 0 : i32
    %dma_wait3A_482 = tpu.memref_slice %arg7[%dma_wait3A_475, %dma_wait3A_476, %dma_wait3A_479, %dma_wait3A_480, %dma_wait3A_481] : memref<2x4x4x8x129xf32, #tpu.memory_space<vmem>> -> memref<1x1x4x8x128xf32, #tpu.memory_space<vmem>>
    %dma_wait3A_483 = tpu.memref_squeeze %dma_wait3A_482 : memref<1x1x4x8x128xf32, #tpu.memory_space<vmem>> -> memref<4x8x128xf32, #tpu.memory_space<vmem>>
    %dma_wait3A_484 = arith.constant 0 : i32
    %dma_wait3A_485 = arith.constant 0 : i32
    %dma_wait3A_486 = tpu.memref_slice %arg4[%select_n3A_454, %dma_wait3A_477, %add3A_474, %dma_wait3A_484, %dma_wait3A_485] : memref<200x4x128x8x128xf32, #tpu.memory_space<hbm>> -> memref<1x1x4x8x128xf32, #tpu.memory_space<hbm>>
    %dma_wait3A_487 = tpu.memref_squeeze %dma_wait3A_486 : memref<1x1x4x8x128xf32, #tpu.memory_space<hbm>> -> memref<4x8x128xf32, #tpu.memory_space<hbm>>
    %dma_wait3A_488 = tpu.memref_slice %arg10[%dma_wait3A_478] : memref<2x!tpu.dma_semaphore, #tpu.memory_space<semaphore_mem>> -> memref<1x!tpu.dma_semaphore, #tpu.memory_space<semaphore_mem>>
    %dma_wait3A_489 = tpu.memref_squeeze %dma_wait3A_488 : memref<1x!tpu.dma_semaphore, #tpu.memory_space<semaphore_mem>> -> memref<!tpu.dma_semaphore, #tpu.memory_space<semaphore_mem>>
    %dma_wait3A_490 = arith.constant 0 : i32
    %dma_wait3A_491 = arith.constant 0 : i32
    %dma_wait3A_492 = tpu.memref_slice %arg4[%select_n3A_454, %dma_wait3A_477, %add3A_474, %dma_wait3A_490, %dma_wait3A_491] : memref<200x4x128x8x128xf32, #tpu.memory_space<hbm>> -> memref<1x1x4x8x128xf32, #tpu.memory_space<hbm>>
    %dma_wait3A_493 = tpu.memref_squeeze %dma_wait3A_492 : memref<1x1x4x8x128xf32, #tpu.memory_space<hbm>> -> memref<4x8x128xf32, #tpu.memory_space<hbm>>
    %dma_wait3A_494 = arith.constant 0 : i32
    %dma_wait3A_495 = arith.constant 0 : i32
    %dma_wait3A_496 = arith.constant 0 : i32
    %dma_wait3A_497 = tpu.memref_slice %arg7[%dma_wait3A_475, %dma_wait3A_476, %dma_wait3A_494, %dma_wait3A_495, %dma_wait3A_496] : memref<2x4x4x8x129xf32, #tpu.memory_space<vmem>> -> memref<1x1x4x8x128xf32, #tpu.memory_space<vmem>>
    %dma_wait3A_498 = tpu.memref_squeeze %dma_wait3A_497 : memref<1x1x4x8x128xf32, #tpu.memory_space<vmem>> -> memref<4x8x128xf32, #tpu.memory_space<vmem>>
    tpu.wait_dma2 semaphore(%dma_wait3A_489 : memref<!tpu.dma_semaphore, #tpu.memory_space<semaphore_mem>>) src(%dma_wait3A_498 : memref<4x8x128xf32, #tpu.memory_space<vmem>>) dst(%dma_wait3A_493 : memref<4x8x128xf32, #tpu.memory_space<hbm>>)
    %add3A_499 = arith.constant 24 : i32
    %add3A_500 = arith.addi %mul3A_2, %add3A_499 : i32
    %jit3A_501 = arith.constant 4 : i32
    %div3A_502 = arith.divsi %add3A_500, %jit3A_501 : i32
    %sign3A_503 = arith.constant 0 : i32
    %sign3A_504 = arith.cmpi sgt, %add3A_500, %sign3A_503 : i32
    %sign3A_505 = arith.extui %sign3A_504 : i1 to i32
    %sign3A_506 = arith.constant 0 : i32
    %sign3A_507 = arith.cmpi slt, %add3A_500, %sign3A_506 : i32
    %sign3A_508 = arith.extui %sign3A_507 : i1 to i32
    %sign3A_509 = arith.subi %sign3A_505, %sign3A_508 : i32
    %sign3A_510 = arith.constant 0 : i32
    %sign3A_511 = arith.cmpi sgt, %jit3A_501, %sign3A_510 : i32
    %sign3A_512 = arith.extui %sign3A_511 : i1 to i32
    %sign3A_513 = arith.constant 0 : i32
    %sign3A_514 = arith.cmpi slt, %jit3A_501, %sign3A_513 : i32
    %sign3A_515 = arith.extui %sign3A_514 : i1 to i32
    %sign3A_516 = arith.subi %sign3A_512, %sign3A_515 : i32
    %ne3A_517 = arith.cmpi ne, %sign3A_509, %sign3A_516 : i32
    %rem3A_518 = arith.remsi %add3A_500, %jit3A_501 : i32
    %ne3A_519 = arith.constant 0 : i32
    %ne3A_520 = arith.cmpi ne, %rem3A_518, %ne3A_519 : i32
    %and3A_521 = arith.andi %ne3A_517, %ne3A_520 : i1
    %sub3A_522 = arith.constant 1 : i32
    %sub3A_523 = arith.subi %div3A_502, %sub3A_522 : i32
    %select_n3A_524 = arith.select %and3A_521, %sub3A_523, %div3A_502 : i32
    %jit3A_525 = arith.constant 4 : i32
    %eq3A_526 = arith.constant 0 : i32
    %eq3A_527 = arith.cmpi eq, %jit3A_525, %eq3A_526 : i32
    %jit3A_528 = arith.constant 1 : i32
    %select_n3A_529 = arith.select %eq3A_527, %jit3A_528, %jit3A_525 : i32
    %rem3A_530 = arith.remsi %add3A_500, %select_n3A_529 : i32
    %ne3A_531 = arith.constant 0 : i32
    %ne3A_532 = arith.cmpi ne, %rem3A_530, %ne3A_531 : i32
    %lt3A_533 = arith.constant 0 : i32
    %lt3A_534 = arith.cmpi slt, %rem3A_530, %lt3A_533 : i32
    %lt3A_535 = arith.constant 0 : i32
    %lt3A_536 = arith.cmpi slt, %select_n3A_529, %lt3A_535 : i32
    %ne3A_537 = arith.xori %lt3A_534, %lt3A_536 : i1
    %and3A_538 = arith.andi %ne3A_537, %ne3A_532 : i1
    %add3A_539 = arith.addi %rem3A_530, %select_n3A_529 : i32
    %select_n3A_540 = arith.select %and3A_538, %add3A_539, %rem3A_530 : i32
    %mul3A_541 = arith.constant 32 : i32
    %mul3A_542 = arith.muli %select_n3A_540, %mul3A_541 : i32
    %add3A_543 = arith.constant 28 : i32
    %add3A_544 = arith.addi %mul3A_542, %add3A_543 : i32
    %dma_wait3A_545 = arith.constant 1 : i32
    %dma_wait3A_546 = arith.constant 1 : i32
    %dma_wait3A_547 = arith.constant 1 : i32
    %dma_wait3A_548 = arith.constant 1 : i32
    %dma_wait3A_549 = arith.constant 0 : i32
    %dma_wait3A_550 = arith.constant 0 : i32
    %dma_wait3A_551 = arith.constant 0 : i32
    %dma_wait3A_552 = tpu.memref_slice %arg7[%dma_wait3A_545, %dma_wait3A_546, %dma_wait3A_549, %dma_wait3A_550, %dma_wait3A_551] : memref<2x4x4x8x129xf32, #tpu.memory_space<vmem>> -> memref<1x1x4x8x128xf32, #tpu.memory_space<vmem>>
    %dma_wait3A_553 = tpu.memref_squeeze %dma_wait3A_552 : memref<1x1x4x8x128xf32, #tpu.memory_space<vmem>> -> memref<4x8x128xf32, #tpu.memory_space<vmem>>
    %dma_wait3A_554 = arith.constant 0 : i32
    %dma_wait3A_555 = arith.constant 0 : i32
    %dma_wait3A_556 = tpu.memref_slice %arg4[%select_n3A_524, %dma_wait3A_547, %add3A_544, %dma_wait3A_554, %dma_wait3A_555] : memref<200x4x128x8x128xf32, #tpu.memory_space<hbm>> -> memref<1x1x4x8x128xf32, #tpu.memory_space<hbm>>
    %dma_wait3A_557 = tpu.memref_squeeze %dma_wait3A_556 : memref<1x1x4x8x128xf32, #tpu.memory_space<hbm>> -> memref<4x8x128xf32, #tpu.memory_space<hbm>>
    %dma_wait3A_558 = tpu.memref_slice %arg10[%dma_wait3A_548] : memref<2x!tpu.dma_semaphore, #tpu.memory_space<semaphore_mem>> -> memref<1x!tpu.dma_semaphore, #tpu.memory_space<semaphore_mem>>
    %dma_wait3A_559 = tpu.memref_squeeze %dma_wait3A_558 : memref<1x!tpu.dma_semaphore, #tpu.memory_space<semaphore_mem>> -> memref<!tpu.dma_semaphore, #tpu.memory_space<semaphore_mem>>
    %dma_wait3A_560 = arith.constant 0 : i32
    %dma_wait3A_561 = arith.constant 0 : i32
    %dma_wait3A_562 = tpu.memref_slice %arg4[%select_n3A_524, %dma_wait3A_547, %add3A_544, %dma_wait3A_560, %dma_wait3A_561] : memref<200x4x128x8x128xf32, #tpu.memory_space<hbm>> -> memref<1x1x4x8x128xf32, #tpu.memory_space<hbm>>
    %dma_wait3A_563 = tpu.memref_squeeze %dma_wait3A_562 : memref<1x1x4x8x128xf32, #tpu.memory_space<hbm>> -> memref<4x8x128xf32, #tpu.memory_space<hbm>>
    %dma_wait3A_564 = arith.constant 0 : i32
    %dma_wait3A_565 = arith.constant 0 : i32
    %dma_wait3A_566 = arith.constant 0 : i32
    %dma_wait3A_567 = tpu.memref_slice %arg7[%dma_wait3A_545, %dma_wait3A_546, %dma_wait3A_564, %dma_wait3A_565, %dma_wait3A_566] : memref<2x4x4x8x129xf32, #tpu.memory_space<vmem>> -> memref<1x1x4x8x128xf32, #tpu.memory_space<vmem>>
    %dma_wait3A_568 = tpu.memref_squeeze %dma_wait3A_567 : memref<1x1x4x8x128xf32, #tpu.memory_space<vmem>> -> memref<4x8x128xf32, #tpu.memory_space<vmem>>
    tpu.wait_dma2 semaphore(%dma_wait3A_559 : memref<!tpu.dma_semaphore, #tpu.memory_space<semaphore_mem>>) src(%dma_wait3A_568 : memref<4x8x128xf32, #tpu.memory_space<vmem>>) dst(%dma_wait3A_563 : memref<4x8x128xf32, #tpu.memory_space<hbm>>)
    %add3A_569 = arith.constant 24 : i32
    %add3A_570 = arith.addi %mul3A_2, %add3A_569 : i32
    %jit3A_571 = arith.constant 4 : i32
    %div3A_572 = arith.divsi %add3A_570, %jit3A_571 : i32
    %sign3A_573 = arith.constant 0 : i32
    %sign3A_574 = arith.cmpi sgt, %add3A_570, %sign3A_573 : i32
    %sign3A_575 = arith.extui %sign3A_574 : i1 to i32
    %sign3A_576 = arith.constant 0 : i32
    %sign3A_577 = arith.cmpi slt, %add3A_570, %sign3A_576 : i32
    %sign3A_578 = arith.extui %sign3A_577 : i1 to i32
    %sign3A_579 = arith.subi %sign3A_575, %sign3A_578 : i32
    %sign3A_580 = arith.constant 0 : i32
    %sign3A_581 = arith.cmpi sgt, %jit3A_571, %sign3A_580 : i32
    %sign3A_582 = arith.extui %sign3A_581 : i1 to i32
    %sign3A_583 = arith.constant 0 : i32
    %sign3A_584 = arith.cmpi slt, %jit3A_571, %sign3A_583 : i32
    %sign3A_585 = arith.extui %sign3A_584 : i1 to i32
    %sign3A_586 = arith.subi %sign3A_582, %sign3A_585 : i32
    %ne3A_587 = arith.cmpi ne, %sign3A_579, %sign3A_586 : i32
    %rem3A_588 = arith.remsi %add3A_570, %jit3A_571 : i32
    %ne3A_589 = arith.constant 0 : i32
    %ne3A_590 = arith.cmpi ne, %rem3A_588, %ne3A_589 : i32
    %and3A_591 = arith.andi %ne3A_587, %ne3A_590 : i1
    %sub3A_592 = arith.constant 1 : i32
    %sub3A_593 = arith.subi %div3A_572, %sub3A_592 : i32
    %select_n3A_594 = arith.select %and3A_591, %sub3A_593, %div3A_572 : i32
    %jit3A_595 = arith.constant 4 : i32
    %eq3A_596 = arith.constant 0 : i32
    %eq3A_597 = arith.cmpi eq, %jit3A_595, %eq3A_596 : i32
    %jit3A_598 = arith.constant 1 : i32
    %select_n3A_599 = arith.select %eq3A_597, %jit3A_598, %jit3A_595 : i32
    %rem3A_600 = arith.remsi %add3A_570, %select_n3A_599 : i32
    %ne3A_601 = arith.constant 0 : i32
    %ne3A_602 = arith.cmpi ne, %rem3A_600, %ne3A_601 : i32
    %lt3A_603 = arith.constant 0 : i32
    %lt3A_604 = arith.cmpi slt, %rem3A_600, %lt3A_603 : i32
    %lt3A_605 = arith.constant 0 : i32
    %lt3A_606 = arith.cmpi slt, %select_n3A_599, %lt3A_605 : i32
    %ne3A_607 = arith.xori %lt3A_604, %lt3A_606 : i1
    %and3A_608 = arith.andi %ne3A_607, %ne3A_602 : i1
    %add3A_609 = arith.addi %rem3A_600, %select_n3A_599 : i32
    %select_n3A_610 = arith.select %and3A_608, %add3A_609, %rem3A_600 : i32
    %mul3A_611 = arith.constant 32 : i32
    %mul3A_612 = arith.muli %select_n3A_610, %mul3A_611 : i32
    %add3A_613 = arith.constant 28 : i32
    %add3A_614 = arith.addi %mul3A_612, %add3A_613 : i32
    %dma_wait3A_615 = arith.constant 1 : i32
    %dma_wait3A_616 = arith.constant 2 : i32
    %dma_wait3A_617 = arith.constant 2 : i32
    %dma_wait3A_618 = arith.constant 1 : i32
    %dma_wait3A_619 = arith.constant 0 : i32
    %dma_wait3A_620 = arith.constant 0 : i32
    %dma_wait3A_621 = arith.constant 0 : i32
    %dma_wait3A_622 = tpu.memref_slice %arg7[%dma_wait3A_615, %dma_wait3A_616, %dma_wait3A_619, %dma_wait3A_620, %dma_wait3A_621] : memref<2x4x4x8x129xf32, #tpu.memory_space<vmem>> -> memref<1x1x4x8x128xf32, #tpu.memory_space<vmem>>
    %dma_wait3A_623 = tpu.memref_squeeze %dma_wait3A_622 : memref<1x1x4x8x128xf32, #tpu.memory_space<vmem>> -> memref<4x8x128xf32, #tpu.memory_space<vmem>>
    %dma_wait3A_624 = arith.constant 0 : i32
    %dma_wait3A_625 = arith.constant 0 : i32
    %dma_wait3A_626 = tpu.memref_slice %arg4[%select_n3A_594, %dma_wait3A_617, %add3A_614, %dma_wait3A_624, %dma_wait3A_625] : memref<200x4x128x8x128xf32, #tpu.memory_space<hbm>> -> memref<1x1x4x8x128xf32, #tpu.memory_space<hbm>>
    %dma_wait3A_627 = tpu.memref_squeeze %dma_wait3A_626 : memref<1x1x4x8x128xf32, #tpu.memory_space<hbm>> -> memref<4x8x128xf32, #tpu.memory_space<hbm>>
    %dma_wait3A_628 = tpu.memref_slice %arg10[%dma_wait3A_618] : memref<2x!tpu.dma_semaphore, #tpu.memory_space<semaphore_mem>> -> memref<1x!tpu.dma_semaphore, #tpu.memory_space<semaphore_mem>>
    %dma_wait3A_629 = tpu.memref_squeeze %dma_wait3A_628 : memref<1x!tpu.dma_semaphore, #tpu.memory_space<semaphore_mem>> -> memref<!tpu.dma_semaphore, #tpu.memory_space<semaphore_mem>>
    %dma_wait3A_630 = arith.constant 0 : i32
    %dma_wait3A_631 = arith.constant 0 : i32
    %dma_wait3A_632 = tpu.memref_slice %arg4[%select_n3A_594, %dma_wait3A_617, %add3A_614, %dma_wait3A_630, %dma_wait3A_631] : memref<200x4x128x8x128xf32, #tpu.memory_space<hbm>> -> memref<1x1x4x8x128xf32, #tpu.memory_space<hbm>>
    %dma_wait3A_633 = tpu.memref_squeeze %dma_wait3A_632 : memref<1x1x4x8x128xf32, #tpu.memory_space<hbm>> -> memref<4x8x128xf32, #tpu.memory_space<hbm>>
    %dma_wait3A_634 = arith.constant 0 : i32
    %dma_wait3A_635 = arith.constant 0 : i32
    %dma_wait3A_636 = arith.constant 0 : i32
    %dma_wait3A_637 = tpu.memref_slice %arg7[%dma_wait3A_615, %dma_wait3A_616, %dma_wait3A_634, %dma_wait3A_635, %dma_wait3A_636] : memref<2x4x4x8x129xf32, #tpu.memory_space<vmem>> -> memref<1x1x4x8x128xf32, #tpu.memory_space<vmem>>
    %dma_wait3A_638 = tpu.memref_squeeze %dma_wait3A_637 : memref<1x1x4x8x128xf32, #tpu.memory_space<vmem>> -> memref<4x8x128xf32, #tpu.memory_space<vmem>>
    tpu.wait_dma2 semaphore(%dma_wait3A_629 : memref<!tpu.dma_semaphore, #tpu.memory_space<semaphore_mem>>) src(%dma_wait3A_638 : memref<4x8x128xf32, #tpu.memory_space<vmem>>) dst(%dma_wait3A_633 : memref<4x8x128xf32, #tpu.memory_space<hbm>>)
    %add3A_639 = arith.constant 24 : i32
    %add3A_640 = arith.addi %mul3A_2, %add3A_639 : i32
    %jit3A_641 = arith.constant 4 : i32
    %div3A_642 = arith.divsi %add3A_640, %jit3A_641 : i32
    %sign3A_643 = arith.constant 0 : i32
    %sign3A_644 = arith.cmpi sgt, %add3A_640, %sign3A_643 : i32
    %sign3A_645 = arith.extui %sign3A_644 : i1 to i32
    %sign3A_646 = arith.constant 0 : i32
    %sign3A_647 = arith.cmpi slt, %add3A_640, %sign3A_646 : i32
    %sign3A_648 = arith.extui %sign3A_647 : i1 to i32
    %sign3A_649 = arith.subi %sign3A_645, %sign3A_648 : i32
    %sign3A_650 = arith.constant 0 : i32
    %sign3A_651 = arith.cmpi sgt, %jit3A_641, %sign3A_650 : i32
    %sign3A_652 = arith.extui %sign3A_651 : i1 to i32
    %sign3A_653 = arith.constant 0 : i32
    %sign3A_654 = arith.cmpi slt, %jit3A_641, %sign3A_653 : i32
    %sign3A_655 = arith.extui %sign3A_654 : i1 to i32
    %sign3A_656 = arith.subi %sign3A_652, %sign3A_655 : i32
    %ne3A_657 = arith.cmpi ne, %sign3A_649, %sign3A_656 : i32
    %rem3A_658 = arith.remsi %add3A_640, %jit3A_641 : i32
    %ne3A_659 = arith.constant 0 : i32
    %ne3A_660 = arith.cmpi ne, %rem3A_658, %ne3A_659 : i32
    %and3A_661 = arith.andi %ne3A_657, %ne3A_660 : i1
    %sub3A_662 = arith.constant 1 : i32
    %sub3A_663 = arith.subi %div3A_642, %sub3A_662 : i32
    %select_n3A_664 = arith.select %and3A_661, %sub3A_663, %div3A_642 : i32
    %jit3A_665 = arith.constant 4 : i32
    %eq3A_666 = arith.constant 0 : i32
    %eq3A_667 = arith.cmpi eq, %jit3A_665, %eq3A_666 : i32
    %jit3A_668 = arith.constant 1 : i32
    %select_n3A_669 = arith.select %eq3A_667, %jit3A_668, %jit3A_665 : i32
    %rem3A_670 = arith.remsi %add3A_640, %select_n3A_669 : i32
    %ne3A_671 = arith.constant 0 : i32
    %ne3A_672 = arith.cmpi ne, %rem3A_670, %ne3A_671 : i32
    %lt3A_673 = arith.constant 0 : i32
    %lt3A_674 = arith.cmpi slt, %rem3A_670, %lt3A_673 : i32
    %lt3A_675 = arith.constant 0 : i32
    %lt3A_676 = arith.cmpi slt, %select_n3A_669, %lt3A_675 : i32
    %ne3A_677 = arith.xori %lt3A_674, %lt3A_676 : i1
    %and3A_678 = arith.andi %ne3A_677, %ne3A_672 : i1
    %add3A_679 = arith.addi %rem3A_670, %select_n3A_669 : i32
    %select_n3A_680 = arith.select %and3A_678, %add3A_679, %rem3A_670 : i32
    %mul3A_681 = arith.constant 32 : i32
    %mul3A_682 = arith.muli %select_n3A_680, %mul3A_681 : i32
    %add3A_683 = arith.constant 28 : i32
    %add3A_684 = arith.addi %mul3A_682, %add3A_683 : i32
    %dma_wait3A_685 = arith.constant 1 : i32
    %dma_wait3A_686 = arith.constant 3 : i32
    %dma_wait3A_687 = arith.constant 3 : i32
    %dma_wait3A_688 = arith.constant 1 : i32
    %dma_wait3A_689 = arith.constant 0 : i32
    %dma_wait3A_690 = arith.constant 0 : i32
    %dma_wait3A_691 = arith.constant 0 : i32
    %dma_wait3A_692 = tpu.memref_slice %arg7[%dma_wait3A_685, %dma_wait3A_686, %dma_wait3A_689, %dma_wait3A_690, %dma_wait3A_691] : memref<2x4x4x8x129xf32, #tpu.memory_space<vmem>> -> memref<1x1x4x8x128xf32, #tpu.memory_space<vmem>>
    %dma_wait3A_693 = tpu.memref_squeeze %dma_wait3A_692 : memref<1x1x4x8x128xf32, #tpu.memory_space<vmem>> -> memref<4x8x128xf32, #tpu.memory_space<vmem>>
    %dma_wait3A_694 = arith.constant 0 : i32
    %dma_wait3A_695 = arith.constant 0 : i32
    %dma_wait3A_696 = tpu.memref_slice %arg4[%select_n3A_664, %dma_wait3A_687, %add3A_684, %dma_wait3A_694, %dma_wait3A_695] : memref<200x4x128x8x128xf32, #tpu.memory_space<hbm>> -> memref<1x1x4x8x128xf32, #tpu.memory_space<hbm>>
    %dma_wait3A_697 = tpu.memref_squeeze %dma_wait3A_696 : memref<1x1x4x8x128xf32, #tpu.memory_space<hbm>> -> memref<4x8x128xf32, #tpu.memory_space<hbm>>
    %dma_wait3A_698 = tpu.memref_slice %arg10[%dma_wait3A_688] : memref<2x!tpu.dma_semaphore, #tpu.memory_space<semaphore_mem>> -> memref<1x!tpu.dma_semaphore, #tpu.memory_space<semaphore_mem>>
    %dma_wait3A_699 = tpu.memref_squeeze %dma_wait3A_698 : memref<1x!tpu.dma_semaphore, #tpu.memory_space<semaphore_mem>> -> memref<!tpu.dma_semaphore, #tpu.memory_space<semaphore_mem>>
    %dma_wait3A_700 = arith.constant 0 : i32
    %dma_wait3A_701 = arith.constant 0 : i32
    %dma_wait3A_702 = tpu.memref_slice %arg4[%select_n3A_664, %dma_wait3A_687, %add3A_684, %dma_wait3A_700, %dma_wait3A_701] : memref<200x4x128x8x128xf32, #tpu.memory_space<hbm>> -> memref<1x1x4x8x128xf32, #tpu.memory_space<hbm>>
    %dma_wait3A_703 = tpu.memref_squeeze %dma_wait3A_702 : memref<1x1x4x8x128xf32, #tpu.memory_space<hbm>> -> memref<4x8x128xf32, #tpu.memory_space<hbm>>
    %dma_wait3A_704 = arith.constant 0 : i32
    %dma_wait3A_705 = arith.constant 0 : i32
    %dma_wait3A_706 = arith.constant 0 : i32
    %dma_wait3A_707 = tpu.memref_slice %arg7[%dma_wait3A_685, %dma_wait3A_686, %dma_wait3A_704, %dma_wait3A_705, %dma_wait3A_706] : memref<2x4x4x8x129xf32, #tpu.memory_space<vmem>> -> memref<1x1x4x8x128xf32, #tpu.memory_space<vmem>>
    %dma_wait3A_708 = tpu.memref_squeeze %dma_wait3A_707 : memref<1x1x4x8x128xf32, #tpu.memory_space<vmem>> -> memref<4x8x128xf32, #tpu.memory_space<vmem>>
    tpu.wait_dma2 semaphore(%dma_wait3A_699 : memref<!tpu.dma_semaphore, #tpu.memory_space<semaphore_mem>>) src(%dma_wait3A_708 : memref<4x8x128xf32, #tpu.memory_space<vmem>>) dst(%dma_wait3A_703 : memref<4x8x128xf32, #tpu.memory_space<hbm>>)
    return
  }
}

</mosaic_0001>

<sc_bundles>
// kernel: kernel.3.cloned.1.call-start
scs
__scs_entry_jumppad:
0x0: {  	(pc) =	sbr.rel $0x88, $3  }
0x1: {  	(tag) =	ssettag $0x0;
	lr =	simm.s32 $0x1  }
0x2: {  	[smem:$0x3F9F] =	sst lr;
	_ =	strace $0xD0000000  }
0x3: {  	_ = 	snop  }
0x4: {  	_ = 	snop  }
0x5: {  	_ = 	snop  }
0x6: {  	_ = 	snop  }
0x7: {  	_ = 	snop  }
__scs_overlays_trampoline_lowered:
0x8: {  	[smem:$0x3FAE] =	sst s0  }
0x9: {  	[smem:$0x3FAF] =	sst s1  }
0xa: {  	[smem:$0x3FB0] =	sst s2  }
0xb: {  	[smem:$0x3FB1] =	sst s3  }
0xc: {  	[smem:$0x3FB2] =	sst s4  }
0xd: {  	[smem:$0x3FB3] =	sst s5  }
0xe: {  	[smem:$0x3FB4] =	sst s6  }
0xf: {  	[smem:$0x3FB5] =	sst s7  }
0x10: {  	[smem:$0x3FB6] =	sst s8  }
0x11: {  	[smem:$0x3FB7] =	sst s9;
	s0 =	simm.s32 @!p0 $0x0  }
0x12: {  	s1 =	sld [smem:$0x3F9D];
	s0 =	simm.s32 @p0 $0x1  }
0x13: {  	[smem:$0x3FB8] =	sst s0;
	s0 =	simm.s32 @!p1 $0x0  }
0x14: {  	s2 =	sld [smem:$0x3F9C];
	s0 =	simm.s32 @p1 $0x1  }
0x15: {  	[smem:$0x3FB9] =	sst s0;
	s0 =	simm.s32 @!p2 $0x0  }
0x16: {  	s3 =	sld [smem:$0x3FDB];
	s0 =	simm.s32 @p2 $0x1  }
0x17: {  	s4 =	simm.s32 $0x1BF5;
	[smem:$0x3FBB] =	sst s0  }
0x18: {  	s0 =	sld [smem:$0x3F9E];
	_ =	swait.ge [sflag:s4], $0x0  }
0x19: {  	s7 =	sld [smem:$0x3F9F]  }
0x1a: {  	s8 =	sadd.s32 $0xFFFFE003, lr  }
0x1b: {  	s9 =	sadd.s32 $0xFFFFFEF7, lr;
	s5 =	simm.s32 $0xFFFFFFFF;
	p2 =	slt.u32 s8, $0xFFFFF086  }
0x1c: {  	p1 =	slt.u32 s9, $0xF7A;
	s5 =	simm.s32 @!p2 $0x0  }
0x1d: {  	s5 =	simm.s32 @p1 $0x1;
	p0 =	seq.s32 s7, s2  }
0x1e: {  	s7 =	smul.u32 @!p0 $0xF7A, s2;
	p2 =	seq.s32 @!p0 s5, $0x0  }
0x1f: {  	s9 =	smul.u32 $0xF7A, s1;
	s8 =	simm.s32 @!p0 $0x1BF5;
	p2 =	por !p2, p0  }
0x20: {  	[sflag:s8] =	ssyncset.s32 @!p0 $0xFFFFF086;
	s6 =	sadd.s32 @!p0 s3, s7;
	s7 =	simm.s32 @!p0 $0x108  }
0x21: {  	s3 =	sadd.s32 s3, s9;
	s6 =	sadd.s32 @!p0 $0x88, s6;
	s7 =	simm.s32 @p2 $0x1082  }
0x22: {  	[simem:s7], [sflag:s8] =	dma.local @!p0 [hbm:s6], $0xF7A  }
0x23: {  	s9 =	sor.u32 $0xD0000000, s2;
	s6 =	simm.s32 $0x108;
	_ =	swait.ge @!p0 [sflag:s8], $0x0  }
0x24: {  	s3 =	sadd.s32 $0x88, s3;
	s6 =	simm.s32 @!p1 $0x1082;
	[sflag:s4] =	ssyncset.s32 $0xFFFFF086  }
0x25: {  	[simem:s6], [sflag:s4] =	dma.local [hbm:s3], $0xF7A  }
0x26: {  	[smem:$0x3F9F] =	sst s1;
	(tag) =	ssettag s2;
	_ =	strace s9  }
0x27: {  	s1 =	sld [smem:$0x3FAF]  }
0x28: {  	s2 =	sld [smem:$0x3FB0]  }
0x29: {  	s4 =	sld [smem:$0x3FB2]  }
0x2a: {  	p0 =	seq.s32 s5, $0x0;
	s5 =	sld [smem:$0x3FB3]  }
0x2b: {  	s6 =	sld [smem:$0x3FB4]  }
0x2c: {  	s7 =	sld [smem:$0x3FB5]  }
0x2d: {  	s3 =	simm.s32 $0x108;
	s8 =	sld [smem:$0x3FB6]  }
0x2e: {  	s3 =	simm.s32 @!p0 $0x1082;
	s9 =	sld [smem:$0x3FB7]  }
0x2f: {  	lr =	sadd.s32 s0, s3;
	s0 =	sld [smem:$0x3FAE]  }
0x30: {  	s3 =	sld [smem:$0x3FB1]  }
0x31: {  	[smem:$0x3FBA] =	sst s10  }
0x32: {  	s10 =	sld [smem:$0x3FB8];
	_ =	sdelay $0x3  }
0x33: {  	p0 =	seq.s32 s10, $0x1;
	s10 =	sld [smem:$0x3FBA];
	_ =	sdelay $0x3  }
0x34: {  	[smem:$0x3FBA] =	sst s10  }
0x35: {  	s10 =	sld [smem:$0x3FB9];
	_ =	sdelay $0x3  }
0x36: {  	p1 =	seq.s32 s10, $0x1;
	s10 =	sld [smem:$0x3FBA];
	_ =	sdelay $0x3  }
0x37: {  	[smem:$0x3FBA] =	sst s10  }
0x38: {  	s10 =	sld [smem:$0x3FBB]  }
0x39: {  	_ = 	snop;
	(pc) =	sbr.ind lr, $3  }
0x3a: {  	_ = 	snop  }
0x3b: {  	_ = 	snop  }
0x3c: {  	p2 =	seq.s32 s10, $0x1;
	s10 =	sld [smem:$0x3FBA]  }
0x3d: {  	_ =	shalt  }
0x3e: {  	_ =	shalt  }
0x3f: {  	_ =	shalt  }
0x40: {  	_ =	shalt  }
0x41: {  	_ =	shalt  }
0x42: {  	_ =	shalt  }
0x43: {  	_ =	shalt  }
0x44: {  	_ =	shalt  }
0x45: {  	_ =	shalt  }
0x46: {  	_ =	shalt  }
0x47: {  	_ =	shalt  }
0x48: {  	_ =	shalt  }
0x49: {  	_ =	shalt  }
0x4a: {  	_ =	shalt  }
0x4b: {  	_ =	shalt  }
0x4c: {  	_ =	shalt  }
0x4d: {  	_ =	shalt  }
0x4e: {  	_ =	shalt  }
0x4f: {  	_ =	shalt  }
0x50: {  	_ =	shalt  }
0x51: {  	_ =	shalt  }
0x52: {  	_ =	shalt  }
0x53: {  	_ =	shalt  }
0x54: {  	_ =	shalt  }
0x55: {  	_ =	shalt  }
0x56: {  	_ =	shalt  }
0x57: {  	_ =	shalt  }
0x58: {  	_ =	shalt  }
0x59: {  	_ =	shalt  }
0x5a: {  	_ =	shalt  }
0x5b: {  	_ =	shalt  }
0x5c: {  	_ =	shalt  }
0x5d: {  	_ =	shalt  }
0x5e: {  	_ =	shalt  }
0x5f: {  	_ =	shalt  }
0x60: {  	_ =	shalt  }
0x61: {  	_ =	shalt  }
0x62: {  	_ =	shalt  }
0x63: {  	_ =	shalt  }
0x64: {  	_ =	shalt  }
0x65: {  	_ =	shalt  }
0x66: {  	_ =	shalt  }
0x67: {  	_ =	shalt  }
0x68: {  	_ =	shalt  }
0x69: {  	_ =	shalt  }
0x6a: {  	_ =	shalt  }
0x6b: {  	_ =	shalt  }
0x6c: {  	_ =	shalt  }
0x6d: {  	_ =	shalt  }
0x6e: {  	_ =	shalt  }
0x6f: {  	_ =	shalt  }
0x70: {  	_ =	shalt  }
0x71: {  	_ =	shalt  }
0x72: {  	_ =	shalt  }
0x73: {  	_ =	shalt  }
0x74: {  	_ =	shalt  }
0x75: {  	_ =	shalt  }
0x76: {  	_ =	shalt  }
0x77: {  	_ =	shalt  }
0x78: {  	_ =	shalt  }
0x79: {  	_ =	shalt  }
0x7a: {  	_ =	shalt  }
0x7b: {  	_ =	shalt  }
0x7c: {  	_ =	shalt  }
0x7d: {  	_ =	shalt  }
0x7e: {  	_ =	shalt  }
0x7f: {  	_ =	shalt  }
0x80: {  	_ =	shalt  }
0x81: {  	_ =	shalt  }
0x82: {  	_ =	shalt  }
0x83: {  	_ =	shalt  }
0x84: {  	_ =	shalt  }
0x85: {  	_ =	shalt  }
0x86: {  	_ =	shalt  }
0x87: {  	_ =	shalt  }
.Lfunc_end0:
.L_simem_size_0:
called_computation_lowered:
.L_overlay_start_0:
0x88: {  	s2 =	sld [smem:$0x3FD9]  }
0x89: {  	s3 =	sld [smem:$0x3FFE];
	_ =	sdelay $0x1  }
0x8a: {  	s1 =	srdreg.scid  }
0x8b: {  	s0 =	sand.u32 $0x1, s1  }
0x8c: {  	s17 =	sshll.u32 s0, $0xA;
	s2 =	sadd.s32 s3, s2  }
0x8d: {  	s2 =	sadd.s32 s2, s17  }
0x8e: {  	[smem:$0x3FC6] =	sst s2  }
0x8f: {  	_ = 	snop  }
0x90: {  	s2 =	sld [smem:$0x3FD0];
	(tm) =	ssettm $0x1  }
0x91: {  	s18 =	sld [smem:$0x3FFB];
	_ =	sdelay $0x3  }
0x92: {  	_ =	strace s18  }
0x93: {  	s3 =	sld [smem:$0x3FFC];
	_ =	sdelay $0x3  }
0x94: {  	_ =	strace s3  }
0x95: {  	s3 =	sld [smem:$0x3FFD];
	_ =	sdelay $0x3  }
0x96: {  	_ =	strace s3  }
0x97: {  	_ =	strace $0x8FFFFFFF  }
0x98: {  	s19 =	sld [smem:$0x3FDB];
	_ =	sdelay $0x1  }
0x99: {  	s4 =	simm.s32 $_scs_section_size  }
0x9a: {  	s5 =	simm.s32 $_size__tile_overlayer_lowered;
	s6 =	simm.s32 $_tile_overlayer_lowered  }
0x9b: {  	s22 =	simm.s32 $0x1BFF;
	s21 =	sshll.u32 s6, $0x1;
	s3 =	sadd.s32 s4, s19  }
0x9c: {  	s7 =	simm.s32 $0x0;
	s20 =	sshll.u32 s5, $0x1;
	s5 =	sadd.s32 s21, s3  }
0x9d: {  	[timem:s7], [sflag:s22] =	dma.local [hbm:s5], s20  }
0x9e: {  	_ =	swait.ge [sflag:s22], s20  }
0x9f: {  	s4 =	ssub.s32 $0x0, s20;
	[sflag:s22] =	ssyncset.done $0x0  }
0xa0: {  	[sflag:s22] =	ssyncadd.s32 s4;
	_ =	sdelay $0x1  }
0xa1: {  	s23 =	simm.s32 $0x1B8B  }
0xa2: {  	_ =	swait.ge [sflag:s23], $0x1  }
0xa3: {  	[sflag:s23] =	ssyncset.done $0x0  }
0xa4: {  	s25 =	simm.s32 $0x1B8E;
	s24 =	sld [smem:$0x3FFE];
	[sflag:s23] =	ssyncadd.s32 $0xFFFFFFFF  }
0xa5: {  	s26 =	simm.s32 $execute0_lowered;
	[smem:$0x3FD2] =	sst s25  }
0xa6: {  	s5 =	sshll.u32 s26, $0x1;
	_ =	strace $0x80000046;
	[dreg:$0x1] =	wrdreg $0xFFFFFFFF  }
0xa7: {  	s28 =	simm.s32 $_size_execute0_lowered;
	s3 =	sadd.s32 s3, s5;
	[dreg:$0x0] =	wrdreg $0x0  }
0xa8: {  	s5 =	sshll.u32 s28, $0x1;
	[dreg:$0x2] =	wrdreg s3  }
0xa9: {  	[dreg:$0x3] =	wrdreg s5  }
0xaa: {  	[dreg:$0x4] =	wrdreg $0xC0  }
0xab: {  	_ =	task [dreg:s7], $0x5FFFF  }
0xac: {  	[dreg:$0x1] =	wrdreg $0xFFFFFFFF  }
0xad: {  	[dreg:$0x0] =	wrdreg $0x60  }
0xae: {  	[dreg:$0x2] =	wrdreg s24  }
0xaf: {  	[dreg:$0x3] =	wrdreg s2  }
0xb0: {  	[dreg:$0x4] =	wrdreg $0x9  }
0xb1: {  	_ =	task.clear_ibuf [dreg:s7], $0x5FFFF;
	_ =	strace $0x90000046  }
0xb2: {  	s29 =	simm.s32 $0x9;
	_ =	strace $0x80000048  }
0xb3: {  	_ =	swait.ge [sflag:s29], $0x1  }
0xb4: {  	[sflag:s29] =	ssyncadd.s32 $0xFFFFFFFF  }
0xb5: {  	_ =	strace $0x90000048  }
0xb6: {  	_ =	sfence  }
0xb7: {  	s30 =	sld [smem:$0x0];
	_ =	sdelay $0x2  }
0xb8: {  	s31 =	sshll.u32 s1, $0xD;
	s1 =	sshrl.u32 s1, $0x2  }
0xb9: {  	s3 =	sand.u32 $0x4000, s31;
	s1 =	sadd.s32 s1, s30  }
0xba: {  	s0 =	sor.u32 s3, s0;
	s1 =	sshll.u32 s1, $0x11  }
0xbb: {  	s0 =	sor.u32 s1, s0  }
0xbc: {  	s0 =	sadd.s32 $0x8F2B, s0  }
0xbd: {  	[sflag:s0] =	ssyncadd.remote.s32 $0x1  }
0xbe: {  	_ =	sfence.sel $0xFFFF  }
0xbf: {  	[dreg:$0x0] =	wrdreg $0xFFFFFFFF;
	(pc) =	sbr.abs _section_cstart, $3  }
0xc0: {  	[dreg:$0x1] =	wrdreg $0xFFFFFFFF  }
0xc1: {  	_ =	task.clear_ibuf [dreg:s7], $0x2FFFF;
	_ =	strace $0x9FFFFFFF  }
0xc2: {  	(tm) =	ssettm $0x7FFFFFFF  }
0xc3: {  	_ =	shalt  }
tec
execute0_lowered:
.L_overlay_start_1:
0x0: {  	(tag) =	ssettag $0x1  }
0x1: {  	v0 =	vimm.s32 $0x14B8  }
0x2: {  	vm0 =	vcmask $0x300;
	vm1 =	vcmask $0x704;
	v1 =	vimm.s32 $0x36B8  }
0x3: {  	vm2 =	vcmask $0xB08;
	v0 =	vsel vm0, $0x0, v0;
	v1 =	vsel vm0, $0x2200, v1  }
0x4: {  	s0 =	rddreg [dreg:$0x0];
	vm3 =	vcmask $0xF0C;
	v0 =	vsel vm1, $0x88, v0;
	v1 =	vsel vm1, $0x2288, v1  }
0x5: {  	s1 =	rddreg [dreg:$0x1];
	s3 =	simm.s32 $0x0;
	vm15 =	vcmask $0x1310;
	v0 =	vsel vm2, $0x110, v0;
	v1 =	vsel vm2, $0x2310, v1  }
0x6: {  	s2 =	srdreg.scid;
	s4 =	stileid.u32;
	vm6 =	vcmask $0x1714;
	s15 =	simm.s32 $0x200;
	v0 =	vsel vm3, $0x198, v0;
	v1 =	vsel vm3, $0x2398, v1  }
0x7: {  	vm7 =	vcmask $0x1B18;
	s20 =	simm.s32 $0x1;
	s21 =	simm.s32 $0x6;
	s22 =	simm.s32 $0x7;
	v0 =	vsel vm15, $0x220, v0;
	v1 =	vsel vm15, $0x2420, v1  }
0x8: {  	vm8 =	vcmask $0x1F1C;
	s23 =	simm.s32 $0x0;
	[smem:$0x7FF] =	sst s3;
	s2 =	sand.u32 $0x1, s2;
	v0 =	vsel vm6, $0x2A8, v0;
	v1 =	vsel vm6, $0x24A8, v1  }
0x9: {  	vm9 =	vcmask $0x2320;
	s4 =	sshll.u32 s4, $0x1;
	s5 =	sadd.s32 $0xF42A00, s0;
	s10 =	sadd.s32 $0x8000, s1;
	v0 =	vsel vm7, $0x330, v0;
	v1 =	vsel vm7, $0x2530, v1  }
0xa: {  	vm10 =	vcmask $0x2724;
	_ =	strace $0x80000047;
	s6 =	sor.u32 s2, s4;
	s2 =	ssub.s32 $0x2, s2;
	v0 =	vsel vm8, $0x3B8, v0;
	v1 =	vsel vm8, $0x25B8, v1  }
0xb: {  	vm11 =	vcmask $0x2B28;
	s7 =	smul.u32 $0x19000, s6;
	s28 =	sshll.u32 s6, $0xC;
	s9 =	sshrl.u32 s2, $0x1;
	v0 =	vsel vm9, $0x1100, v0;
	v1 =	vsel vm9, $0x3300, v1  }
0xc: {  	vm12 =	vcmask $0x2F2C;
	s4 =	sadd.s32 $0x600, s0;
	s0 =	sand.u32 $0x3000, s28;
	s2 =	ssub.s32 s2, s9;
	v0 =	vsel vm10, $0x1188, v0;
	v1 =	vsel vm10, $0x3388, v1  }
.Ltmp0:
0xd: {  	vm13 =	vcmask $0x3330;
	s8 =	sand.u32 $0x3FC000, s7;
	s7 =	sshrl.u32 s7, $0x3;
	v0 =	vsel vm11, $0x1210, v0;
	v1 =	vsel vm11, $0x3410, v1;
	(pc) =	sbr.rel .LBB2_1-.Ltmp0, $4  }
0xe: {  	vm14 =	vcmask $0x3734;
	s31 =	smax.u32 s2, $0x1;
	s0 =	sor.u32 s0, s8;
	s29 =	sadd.s32 s4, s7;
	v0 =	vsel vm12, $0x1298, v0;
	v1 =	vsel vm12, $0x3498, v1  }
0xf: {  	v2 =	vimm.s32 $0x0;
	[dreg:$0x5] =	wrdreg s31;
	s0 =	sshrl.u32 s0, $0x3;
	s30 =	sadd.s32 $0x200, s29;
	v0 =	vsel vm13, $0x1320, v0;
	v1 =	vsel vm13, $0x3520, v1  }
0x10: {  	s11 =	sadd.s32 $0xC000, s1;
	vm15 =	vcmask $0x3B38;
	s0 =	sadd.s32 s4, s0;
	[dreg:$0x4] =	wrdreg s30;
	v0 =	vsel vm14, $0x13A8, v0;
	v3 =	vsel vm14, $0x35A8, v1  }
0x11: {  	s6 =	smul.u32 $0x19, s6;
	s9 =	sadd.s32 $0x4000, s1;
	[dreg:$0x3] =	wrdreg s0;
	v1 =	vsel vm0, $0x3, v2;
	v0 =	vsel vm15, $0x1430, v0;
	v2 =	vsel vm15, $0x3630, v3  }
.LBB2_18:
0x12: {  	_ =	swait.ge [sflag:s21], $0x1000  }
0x13: {  	[sflag:s21] =	ssyncset.done $0x0  }
0x14: {  	[sflag:s21] =	ssyncadd.s32 $0xFFFFF000  }
0x15: {  	_ =	swait.ge [sflag:s21], $0x1000  }
0x16: {  	[sflag:s21] =	ssyncset.done $0x0  }
0x17: {  	[sflag:s21] =	ssyncadd.s32 $0xFFFFF000  }
0x18: {  	_ =	swait.ge [sflag:s21], $0x1000  }
0x19: {  	[sflag:s21] =	ssyncset.done $0x0  }
0x1a: {  	[sflag:s21] =	ssyncadd.s32 $0xFFFFF000  }
0x1b: {  	_ =	swait.ge [sflag:s21], $0x1000  }
0x1c: {  	[sflag:s21] =	ssyncset.done $0x0  }
0x1d: {  	[sflag:s21] =	ssyncadd.s32 $0xFFFFF000  }
0x1e: {  	_ =	swait.ge [sflag:s22], $0x1000  }
0x1f: {  	[sflag:s22] =	ssyncset.done $0x0  }
0x20: {  	[sflag:s22] =	ssyncadd.s32 $0xFFFFF000  }
0x21: {  	_ =	swait.ge [sflag:s22], $0x1000  }
0x22: {  	[sflag:s22] =	ssyncset.done $0x0  }
0x23: {  	[sflag:s22] =	ssyncadd.s32 $0xFFFFF000  }
0x24: {  	_ =	swait.ge [sflag:s22], $0x1000  }
0x25: {  	[sflag:s22] =	ssyncset.done $0x0  }
0x26: {  	[sflag:s22] =	ssyncadd.s32 $0xFFFFF000  }
0x27: {  	_ =	swait.ge [sflag:s22], $0x1000  }
0x28: {  	s23 =	sadd.s32 $0x1, s23;
	s0 =	rddreg [dreg:$0x5]  }
0x29: {  	p0 =	sne.s32 s23, s0  }
.Ltmp1:
0x2a: {  	_ = 	snop;
	(pc) =	sbr.rel @!p0 .LBB2_19-.Ltmp1, $3  }
0x2b: {  	_ =	sdelay $0x1  }
0x2c: {  	[sflag:s22] =	ssyncset.done $0x0  }
0x2d: {  	[sflag:s22] =	ssyncadd.s32 $0xFFFFF000  }
.LBB2_1:
0x2e: {  	s0 =	rddreg [dreg:$0x3];
	s25 =	simm.s32 $0x8  }
0x2f: {  	[tilespmem:s3], [sflag:$0x8] =	stream.linear.gather [hbm4b:s0+s3], $0x1000, $0x38;
	[tilespmem:$0x1A800] =	vst v63  }
0x30: {  	_ =	swait.ge [sflag:s25], $0x1000  }
0x31: {  	[sflag:s25] =	ssyncset.done $0x0  }
0x32: {  	s2 =	simm.s32 $0x1000;
	s26 =	rddreg [dreg:$0x4];
	[sflag:s25] =	ssyncadd.s32 $0xFFFFF000  }
0x33: {  	[tilespmem:s2], [sflag:$0x1] =	stream.linear.gather [hbm4b:s26+s3], $0x1000, $0x38;
	[tilespmem:$0x1A800] =	vst v63  }
0x34: {  	s28 =	simm.s32 $0x2000  }
0x35: {  	[tilespmem:s28], [sflag:$0x2] =	stream.indirect.gather [hbm4b:s5+s15], $0x20, s3, s15, $0xb8;
	[tilespmem:$0x1A800] =	vst v63  }
0x36: {  	s29 =	simm.s32 $0x6000;
	s30 =	simm.s32 $0x400;
	s31 =	simm.s32 $0xA000  }
0x37: {  	[tilespmem:s29], [sflag:$0x3] =	stream.indirect.gather [hbm4b:s5+s15], $0x20, s15, s15, $0xb8;
	[tilespmem:$0x1A800] =	vst v63  }
0x38: {  	p0 =	por $0x0, $0x0;
	s24 =	simm.s32 $0x0;
	s26 =	simm.s32 $0x0  }
0x39: {  	[tilespmem:s31], [sflag:$0x4] =	stream.indirect.gather [hbm4b:s5+s15], $0x20, s30, s15, $0xb8;
	[tilespmem:$0x1A800] =	vst v63  }
.LBB2_3:
0x3a: {  	s2 =	sadd.s32 $0x3, s26  }
0x3b: {  	p1 =	sgt.u32 s26, $0xC4;
	s0 =	sand.u32 $0x7, s2  }
0x3c: {  	p2 =	sne.s32 @!p1 s0, $0x0  }
0x3d: {  	p2 =	por p1, p2  }
.Ltmp2:
0x3e: {  	_ = 	snop;
	(pc) =	sbr.rel @p2 .LBB2_5-.Ltmp2, $1  }
0x3f: {  	_ =	sdelay $0x3  }
0x40: {  	_ =	swait.ge [sflag:s20], $0x1000  }
0x41: {  	[sflag:s20] =	ssyncset.done $0x0  }
0x42: {  	[sflag:s20] =	ssyncadd.s32 $0xFFFFF000  }
.LBB2_6:
0x43: {  	s14 =	sand.u32 $0x3, s2;
	s30 =	sshll.u32 s2, $0x9  }
0x44: {  	s0 =	sshll.u32 s0, $0x9;
	s16 =	sshll.u32 s14, $0xE;
	s2 =	sand.u32 $0x1000, s30  }
0x45: {  	s31 =	sadd.s32 $0x2, s14;
	s16 =	sor.u32 $0x2000, s16;
	s0 =	sor.u32 s0, s2  }
0x46: {  	[tilespmem:s16], [sflag:s31] =	stream.indirect.gather [hbm4b:s5+s15], $0x20, s0, s15, $0xb8;
	[tilespmem:$0x1A800] =	vst v63  }
.LBB2_7:
0x47: {  	s25 =	sadd.s32 $0x1, s26  }
0x48: {  	p1 =	sgt.u32 s26, $0xBE;
	s0 =	sand.u32 $0x7, s25  }
0x49: {  	p2 =	sne.s32 @!p1 s0, $0x0  }
0x4a: {  	p1 =	por p2, p1  }
0x4b: {  	s18 =	sand.u32 $0x3, s26;
	s28 =	sand.u32 $0x1, s26;
	s2 =	sshrl.u32 @!p1 s25, $0x3  }
0x4c: {  	s30 =	simm.s32 $0x0;
	s0 =	sadd.s32 $0x2, s18;
	s2 =	sadd.s32 @!p1 $0x1, s2  }
0x4d: {  	s19 =	simm.s32 $0x1;
	_ =	swait.ge [sflag:s0], $0x4000;
	s14 =	sadd.s32 @!p1 s6, s2  }
0x4e: {  	s16 =	simm.s32 $0x0;
	[sflag:s0] =	ssyncset.done $0x0;
	s14 =	sshll.u32 @!p1 s14, $0x9  }
0x4f: {  	[sflag:s0] =	ssyncadd.s32 $0xFFFFC000;
	s2 =	sshll.u32 @!p1 s2, $0xC;
	s0 =	sand.u32 @!p1 $0xFFFFE00, s14  }
0x50: {  	s2 =	sand.u32 @!p1 $0x1000, s2;
	s14 =	simm.s32 @!p1 $0x0;
	s0 =	sadd.s32 @!p1 s4, s0  }
0x51: {  	[tilespmem:s2], [sflag:$0x1] =	stream.linear.gather @!p1 [hbm4b:s0+s14], $0x1000, $0x38;
	[tilespmem:$0x1A800] =	vst v63  }
0x52: {  	s12 =	simm.s32 $0x7;
	s13 =	simm.s32 $0x4;
	v3 =	vmov s16;
	p1 =	slt.u32 s26, $0x2  }
0x53: {  	s17 =	sand.u32 $0x78, s30;
	s16 =	sand.u32 $0x78, s12;
	v3 =	vmul.u32 $0x440, v3;
	s0 =	sor.u32 @!p1 $0x6, s28  }
0x54: {  	s7 =	simm.s32 $0x2;
	v5 =	vmov s17;
	s17 =	sand.u32 $0x78, s13;
	v7 =	vmov s16;
	_ =	swait.ge @!p1 [sflag:s0], $0x1000  }
0x55: {  	s8 =	simm.s32 $0x6;
	v5 =	vshrl.u32 v5, $0x3;
	v9 =	vmov s17;
	v3 =	vbroadcast v3, $0x0;
	s2 =	sand.u32 $0x78, s19;
	[sflag:s0] =	ssyncset.done @!p1 $0x0  }
0x56: {  	v7 =	vshrl.u32 v7, $0x3;
	v9 =	vshrl.u32 v9, $0x3;
	s14 =	sand.u32 $0x78, s7;
	v4 =	vmov s2;
	s2 =	sand.u32 $0x78, s8;
	[sflag:s0] =	ssyncadd.s32 @!p1 $0xFFFFF000  }
0x57: {  	s29 =	simm.s32 $0x5;
	v20 =	vadd.s32 v0, v3;
	v8 =	vmov s14;
	v6 =	vmov s2;
	_ =	swait.ge @!p1 [sflag:s0], $0x1000  }
0x58: {  	s14 =	sand.u32 $0x78, s29;
	v4 =	vshrl.u32 v4, $0x3;
	v8 =	vshrl.u32 v8, $0x3;
	v6 =	vshrl.u32 v6, $0x3;
	[sflag:s0] =	ssyncset.done @!p1 $0x0  }
0x59: {  	s16 =	simm.s32 $0x3;
	v10 =	vmov s14;
	v4 =	vshll.u32 v4, v1;
	v11 =	vshll.u32 v6, v1;
	[sflag:s0] =	ssyncadd.s32 @!p1 $0xFFFFF000  }
0x5a: {  	s2 =	sand.u32 $0x78, s16;
	v6 =	vshll.u32 v8, v1;
	v8 =	vbroadcast v4, $0x0;
	v4 =	vshll.u32 v7, v1;
	_ =	swait.ge @!p1 [sflag:s0], $0x1000  }
0x5b: {  	v7 =	vshrl.u32 v10, $0x3;
	v12 =	vbroadcast v6, $0x0;
	v6 =	vmov s2;
	[sflag:s0] =	ssyncset.done @!p1 $0x0  }
0x5c: {  	v17 =	vbroadcast v4, $0x0;
	v4 =	vshll.u32 v5, v1;
	v5 =	vshrl.u32 v6, $0x3;
	[sflag:s0] =	ssyncadd.s32 @!p1 $0xFFFFF000  }
0x5d: {  	s17 =	sand.u32 $0x3, s24;
	v10 =	vshll.u32 v7, v1;
	v6 =	vbroadcast v4, $0x0;
	v4 =	vshll.u32 v5, v1;
	_ =	swait.ge @!p1 [sflag:s0], $0x1000  }
0x5e: {  	s2 =	sshll.u32 s17, $0xE;
	v7 =	vadd.s32 v2, v3;
	v3 =	vshll.u32 v9, v1;
	v4 =	vbroadcast v4, $0x0;
	[sflag:s0] =	ssyncset.done @!p1 $0x0  }
0x5f: {  	s2 =	sor.u32 $0x2080, s2;
	v22 =	vbroadcast v3, $0x0;
	[sflag:s0] =	ssyncadd.s32 @!p1 $0xFFFFF000  }
0x60: {  	v5 =	vbroadcast v11, $0x0;
	v9 =	vadd.s32 v20, v4;
	v11 =	vadd.s32 v7, v4;
	v4 =	vld [tilespmem:s2+$0x50]  }
0x61: {  	v15 =	vbroadcast v10, $0x0;
	v3 =	vadd.s32 v20, v12;
	v9 =	vor.u32 $0x3, v9;
	v21 =	vld [tilespmem:s2+$0xFFFFFFE0]  }
0x62: {  	s18 =	smul.u32 $0x11000, s28;
	v27 =	vadd.s32 v7, v12;
	v12 =	vadd.s32 v7, v17;
	v23 =	vor.u32 $0x3, v11;
	s0 =	simm.s32 $0x1;
	v25 =	vld [tilespmem:s2+$0xFFFFFFF0]  }
0x63: {  	v24 =	vadd.s32 v6, v20;
	v13 =	vor.u32 $0x2, v3;
	v3 =	vadd.s32 v20, v22;
	s0 =	simm.s32 @!p0 $0x0;
	v26 =	vld [tilespmem:s2+$0xFFFFFF80]  }
0x64: {  	s14 =	sshrl.u32 s18, $0x2;
	v22 =	vadd.s32 v7, v22;
	v14 =	vadd.s32 v20, v5;
	v5 =	vadd.s32 v7, v5;
	v18 =	vld [tilespmem:s2+$0xFFFFFFC0];
	s0 =	smul.u32 $0x11000, s0  }
0x65: {  	s16 =	sadd.s32 $0x12000, s14;
	v3 =	vor.u32 $0x4, v3;
	v11 =	vadd.s32 v20, v8;
	v8 =	vadd.s32 v7, v8;
	v16 =	vld [tilespmem:s2+$0x40]  }
0x66: {  	v19 =	vor.u32 $0x6, v14;
	v11 =	vor.u32 $0x1, v11;
	v8 =	vor.u32 $0x1, v8;
	v14 =	vld [tilespmem:s2+$0xFFFFFFA0];
	s19 =	sshrl.u32 s0, $0x2;
	[tilespmem:v9+s16+$0x0] =	vst.idx.msk $0xffff, v21  }
0x67: {  	s17 =	sadd.s32 $0x100, s2;
	v10 =	vld [tilespmem:s2+$0xFFFFFF90];
	s29 =	sadd.s32 $0x15300, s19;
	v9 =	vadd.s32 v20, v17;
	v21 =	vor.u32 $0x2, v27;
	[tilespmem:v23+s16+$0x0] =	vst.idx.msk $0xffff, v25;
	v23 =	vadd.s32 v20, v15  }
0x68: {  	s31 =	sadd.s32 $0x14200, s19;
	s0 =	sadd.s32 $0x13100, s19;
	s14 =	sadd.s32 $0x12000, s19;
	[tilespmem:v24+s16+$0x0] =	vst.idx.msk $0xffff, v26;
	v17 =	vld [tilespmem:s2+$0xFFFFFFD0];
	v20 =	vor.u32 $0x6, v5;
	v5 =	vor.u32 $0x7, v9;
	v9 =	vor.u32 $0x5, v23  }
.LBB2_8:
0x69: {  	s18 =	sadd.s32 $0x9, s30  }
0x6a: {  	s19 =	sadd.s32 $0xA, s30;
	v6 =	vadd.s32 v6, v7;
	[tilespmem:v13+s16+$0x0] =	vst.idx.msk $0xffff, v18;
	v7 =	vadd.s32 v7, v15;
	v13 =	vld [tilespmem:s2+$0x60];
	s7 =	smov.u32 s30;
	s30 =	sadd.s32 $0x8, s30  }
0x6b: {  	v18 =	vor.u32 $0x4, v22;
	s8 =	sshrl.u32 s30, $0x7;
	s12 =	sand.u32 $0x78, s30;
	s18 =	sand.u32 $0x78, s18;
	v15 =	vld [tilespmem:s2+$0xFFFFFFB0];
	v7 =	vor.u32 $0x5, v7;
	[tilespmem:v19+s16+$0x0] =	vst.idx.msk $0xffff, v16  }
0x6c: {  	v12 =	vor.u32 $0x7, v12;
	s13 =	sadd.s32 $0xF, s7;
	v16 =	vmov s8;
	v19 =	vmov s18;
	s8 =	sadd.s32 $0xB, s7;
	s18 =	sadd.s32 $0xE, s7;
	[tilespmem:v11+s16+$0x0] =	vst.idx.msk $0xffff, v14;
	v11 =	vld [tilespmem:s2+$0x0]  }
0x6d: {  	v14 =	vmov s12;
	s12 =	sadd.s32 $0xC, s7;
	s13 =	sand.u32 $0x78, s13;
	v16 =	vmul.u32 $0x440, v16;
	v19 =	vshrl.u32 v19, $0x3;
	s18 =	sand.u32 $0x78, s18;
	v22 =	vld [tilespmem:s2+$0x20];
	[tilespmem:v20+s16+$0x0] =	vst.idx.msk $0xffff, v4  }
0x6e: {  	s19 =	sand.u32 $0x78, s19;
	s7 =	sadd.s32 $0xD, s7;
	v4 =	vshrl.u32 v14, $0x3;
	s12 =	sand.u32 $0x78, s12;
	v20 =	vmov s13;
	v14 =	vmov s18;
	[tilespmem:v21+s16+$0x0] =	vst.idx.msk $0xffff, v17;
	v17 =	vld [tilespmem:s2+$0x30]  }
0x6f: {  	p1 =	slt.u32 s30, $0x1F8;
	s7 =	sand.u32 $0x78, s7;
	v21 =	vmov s19;
	v23 =	vmov s12;
	v14 =	vshrl.u32 v14, $0x3;
	[tilespmem:v6+s16+$0x0] =	vst.idx.msk $0xffff, v10;
	v6 =	vld [tilespmem:s2+$0x10]  }
0x70: {  	v10 =	vshrl.u32 v21, $0x3;
	v21 =	vmov s7;
	v14 =	vshll.u32 v14, v1;
	[tilespmem:v8+s16+$0x0] =	vst.idx.msk $0xffff, v15;
	v8 =	vld [tilespmem:s2+$0x70];
	s2 =	smov.u32 s17  }
0x71: {  	v15 =	vshll.u32 v19, v1;
	v10 =	vshll.u32 v10, v1;
	v19 =	vshrl.u32 v20, $0x3;
	[tilespmem:v3+s16+$0x0] =	vst.idx.msk $0xffff, v11  }
0x72: {  	s7 =	sand.u32 $0x78, s8;
	v3 =	vbroadcast v15, $0x0;
	v10 =	vbroadcast v10, $0x0;
	v11 =	vshll.u32 v19, v1;
	[tilespmem:v9+s16+$0x0] =	vst.idx.msk $0xffff, v22  }
0x73: {  	v15 =	vmov s7;
	v9 =	vbroadcast v16, $0x0;
	v20 =	vbroadcast v11, $0x0;
	[tilespmem:v7+s16+$0x0] =	vst.idx.msk $0xffff, v17  }
0x74: {  	v4 =	vshll.u32 v4, v1;
	v11 =	vshrl.u32 v21, $0x3;
	v7 =	vshrl.u32 v15, $0x3;
	[tilespmem:v18+s16+$0x0] =	vst.idx.msk $0xffff, v6  }
0x75: {  	v14 =	vbroadcast v14, $0x0;
	v6 =	vbroadcast v4, $0x0;
	v4 =	vshll.u32 v7, v1;
	[tilespmem:v5+s16+$0x0] =	vst.idx.msk $0xffff, v13  }
0x76: {  	v11 =	vshll.u32 v11, v1;
	v4 =	vbroadcast v4, $0x0;
	v5 =	vshrl.u32 v23, $0x3;
	[tilespmem:v12+s16+$0x0] =	vst.idx.msk $0xffff, v8  }
0x77: {  	v17 =	vadd.s32 v0, v9;
	v7 =	vadd.s32 v2, v9;
	v5 =	vshll.u32 v5, v1  }
0x78: {  	v8 =	vadd.s32 v17, v4;
	v9 =	vadd.s32 v7, v4;
	v22 =	vbroadcast v5, $0x0;
	v4 =	vld [tilespmem:s17+$0x50]  }
0x79: {  	v12 =	vor.u32 $0x3, v8;
	v9 =	vor.u32 $0x3, v9;
	v8 =	vadd.s32 v17, v14;
	v5 =	vld [tilespmem:s17+$0xFFFFFFE0]  }
0x7a: {  	v16 =	vadd.s32 v17, v3;
	v13 =	vadd.s32 v17, v10;
	v21 =	vadd.s32 v6, v17;
	v23 =	vld [tilespmem:s17+$0xFFFFFFF0]  }
0x7b: {  	v25 =	vadd.s32 v7, v14;
	v13 =	vor.u32 $0x2, v13;
	v15 =	vadd.s32 v17, v22;
	v24 =	vld [tilespmem:s17+$0xFFFFFF80]  }
.Ltmp3:
0x7c: {  	v26 =	vadd.s32 v7, v3;
	v3 =	vor.u32 $0x4, v15;
	v15 =	vbroadcast v11, $0x0;
	v18 =	vld [tilespmem:s17+$0xFFFFFFC0];
	(pc) =	sbr.rel @p1 .LBB2_8-.Ltmp3, $4  }
0x7d: {  	v27 =	vadd.s32 v7, v10;
	v19 =	vor.u32 $0x6, v8;
	v11 =	vor.u32 $0x1, v16;
	v16 =	vld [tilespmem:s17+$0x40]  }
0x7e: {  	v8 =	vor.u32 $0x1, v26;
	v14 =	vld [tilespmem:s17+$0xFFFFFFA0];
	[tilespmem:v12+s16+$0x0] =	vst.idx.msk $0xffff, v5;
	v5 =	vadd.s32 v17, v20;
	v12 =	vadd.s32 v7, v20  }
0x7f: {  	v20 =	vor.u32 $0x6, v25;
	v10 =	vld [tilespmem:s17+$0xFFFFFF90];
	[tilespmem:v9+s16+$0x0] =	vst.idx.msk $0xffff, v23;
	v9 =	vadd.s32 v17, v15;
	v5 =	vor.u32 $0x7, v5  }
0x80: {  	v22 =	vadd.s32 v7, v22;
	s17 =	sadd.s32 $0x100, s17;
	[tilespmem:v21+s16+$0x0] =	vst.idx.msk $0xffff, v24;
	v17 =	vld [tilespmem:s2+$0xFFFFFFD0];
	v21 =	vor.u32 $0x2, v27;
	v9 =	vor.u32 $0x5, v9  }
0x81: {  	_ =	sdelay $0x3  }
0x82: {  	v6 =	vadd.s32 v6, v7;
	[tilespmem:v13+s16+$0x0] =	vst.idx.msk $0xffff, v18  }
0x83: {  	v53 =	vld [tilespmem:s2+$0xFFFFFFB0];
	[tilespmem:v19+s16+$0x0] =	vst.idx.msk $0xffff, v16  }
0x84: {  	v54 =	vld [tilespmem:s2+$0x0];
	[tilespmem:v11+s16+$0x0] =	vst.idx.msk $0xffff, v14  }
0x85: {  	v56 =	vld [tilespmem:s2+$0x20];
	[tilespmem:v20+s16+$0x0] =	vst.idx.msk $0xffff, v4  }
0x86: {  	v55 =	vadd.s32 v7, v15;
	v61 =	vld [tilespmem:s2+$0x60];
	[tilespmem:v21+s16+$0x0] =	vst.idx.msk $0xffff, v17  }
0x87: {  	v58 =	vld [tilespmem:s2+$0x30];
	s7 =	sshrl.u32 s26, $0x3;
	v57 =	vor.u32 $0x5, v55;
	[tilespmem:v6+s16+$0x0] =	vst.idx.msk $0xffff, v10  }
0x88: {  	v59 =	vor.u32 $0x4, v22;
	v60 =	vld [tilespmem:s2+$0x10];
	s7 =	sadd.s32 s6, s7;
	[tilespmem:v8+s16+$0x0] =	vst.idx.msk $0xffff, v53  }
0x89: {  	v62 =	vor.u32 $0x7, v12;
	v63 =	vld [tilespmem:s2+$0x70];
	s8 =	sshll.u32 s26, $0x9;
	s19 =	sshll.u32 s7, $0xC;
	[tilespmem:v3+s16+$0x0] =	vst.idx.msk $0xffff, v54  }
0x8a: {  	s8 =	sand.u32 $0xE00, s8;
	s7 =	sshll.u32 s7, $0xE;
	s2 =	sand.u32 $0x3000, s19;
	[tilespmem:v9+s16+$0x0] =	vst.idx.msk $0xffff, v56  }
0x8b: {  	s7 =	sand.u32 $0xFFF0000, s7;
	s2 =	sor.u32 s8, s2;
	[tilespmem:v5+s16+$0x0] =	vst.idx.msk $0xffff, v61  }
0x8c: {  	s17 =	sor.u32 s7, s2;
	[tilespmem:v57+s16+$0x0] =	vst.idx.msk $0xffff, v58  }
0x8d: {  	s2 =	sor.u32 $0x6, s28;
	[tilespmem:v59+s16+$0x0] =	vst.idx.msk $0xffff, v60;
	s26 =	sadd.s32 s1, s17  }
0x8e: {  	s28 =	sadd.s32 $0x88, s14;
	[tilespmem:v62+s16+$0x0] =	vst.idx.msk $0xffff, v63;
	s16 =	simm.s32 $0x10;
	s30 =	sadd.s32 $0x0, s26  }
.LBB2_10:
0x8f: {  	[hbm4b:s30+s3] =	stream.linear.scatter [tilespmem:s14], [sflag:s2], $0x80, $0x38;
	[tilespmem:$0x1A800] =	vst v63  }
0x90: {  	s7 =	smov.u32 s16;
	s14 =	smov.u32 s28;
	p1 =	sne.s32 s16, $0x1F0  }
.Ltmp4:
0x91: {  	s16 =	sadd.s32 $0x10, s16;
	(pc) =	sbr.rel @p1 .LBB2_10-.Ltmp4, $2  }
0x92: {  	_ =	sdelay $0x2  }
0x93: {  	s28 =	sadd.s32 $0x88, s28;
	s30 =	sadd.s32 s7, s26  }
0x94: {  	[hbm4b:s30+s3] =	stream.linear.scatter [tilespmem:s14], [sflag:s2], $0x80, $0x38;
	[tilespmem:$0x1A800] =	vst v63  }
0x95: {  	s14 =	sadd.s32 s17, s9  }
0x96: {  	s16 =	simm.s32 $0x10;
	s26 =	sadd.s32 $0x88, s0;
	s28 =	sadd.s32 $0x0, s14  }
.LBB2_12:
0x97: {  	[hbm4b:s28+s3] =	stream.linear.scatter [tilespmem:s0], [sflag:s2], $0x80, $0x38;
	[tilespmem:$0x1A800] =	vst v63  }
0x98: {  	s7 =	smov.u32 s16;
	s0 =	smov.u32 s26;
	p1 =	sne.s32 s16, $0x1F0  }
.Ltmp5:
0x99: {  	s16 =	sadd.s32 $0x10, s16;
	(pc) =	sbr.rel @p1 .LBB2_12-.Ltmp5, $2  }
0x9a: {  	_ =	sdelay $0x2  }
0x9b: {  	s26 =	sadd.s32 $0x88, s26;
	s28 =	sadd.s32 s7, s14  }
0x9c: {  	[hbm4b:s28+s3] =	stream.linear.scatter [tilespmem:s0], [sflag:s2], $0x80, $0x38;
	[tilespmem:$0x1A800] =	vst v63  }
0x9d: {  	s0 =	sadd.s32 s17, s10  }
0x9e: {  	s14 =	simm.s32 $0x10;
	s16 =	sadd.s32 $0x88, s31;
	s26 =	sadd.s32 $0x0, s0  }
.LBB2_14:
0x9f: {  	[hbm4b:s26+s3] =	stream.linear.scatter [tilespmem:s31], [sflag:s2], $0x80, $0x38;
	[tilespmem:$0x1A800] =	vst v63  }
0xa0: {  	s7 =	smov.u32 s14;
	s31 =	smov.u32 s16;
	p1 =	sne.s32 s14, $0x1F0  }
.Ltmp6:
0xa1: {  	s14 =	sadd.s32 $0x10, s14;
	(pc) =	sbr.rel @p1 .LBB2_14-.Ltmp6, $2  }
0xa2: {  	_ =	sdelay $0x2  }
0xa3: {  	s16 =	sadd.s32 $0x88, s16;
	s26 =	sadd.s32 s7, s0  }
0xa4: {  	[hbm4b:s26+s3] =	stream.linear.scatter [tilespmem:s31], [sflag:s2], $0x80, $0x38;
	[tilespmem:$0x1A800] =	vst v63  }
0xa5: {  	s0 =	sadd.s32 s17, s11  }
0xa6: {  	s14 =	simm.s32 $0x10;
	s16 =	sadd.s32 $0x88, s29;
	s17 =	sadd.s32 $0x0, s0  }
.LBB2_16:
0xa7: {  	[hbm4b:s17+s3] =	stream.linear.scatter [tilespmem:s29], [sflag:s2], $0x80, $0x38;
	[tilespmem:$0x1A800] =	vst v63  }
0xa8: {  	s7 =	smov.u32 s14;
	s29 =	smov.u32 s16;
	p1 =	seq.s32 s14, $0x1F0  }
.Ltmp7:
0xa9: {  	s14 =	sadd.s32 $0x10, s14;
	(pc) =	sbr.rel @!p1 .LBB2_16-.Ltmp7, $2  }
0xaa: {  	_ =	sdelay $0x2  }
0xab: {  	s16 =	sadd.s32 $0x88, s16;
	s17 =	sadd.s32 s7, s0  }
0xac: {  	[hbm4b:s17+s3] =	stream.linear.scatter [tilespmem:s29], [sflag:s2], $0x80, $0x38;
	[tilespmem:$0x1A800] =	vst v63  }
0xad: {  	p1 =	seq.s32 s25, $0xC8  }
.Ltmp8:
0xae: {  	_ = 	snop;
	(pc) =	sbr.rel @!p1 .LBB2_3-.Ltmp8, $4  }
.Ltmp9:
0xaf: {  	_ = 	snop;
	(pc) =	sbr.rel @p1 .LBB2_18-.Ltmp9, $4  }
0xb0: {  	_ = 	snop  }
0xb1: {  	_ = 	snop  }
0xb2: {  	s24 =	sadd.s32 $0x1, s24;
	p0 =	por !p0, !p0;
	s26 =	smov.u32 s25  }
0xb3: {  	_ = 	snop  }
.LBB2_5:
.Ltmp10:
0xb4: {  	(pc) =	sbr.rel @p1 .LBB2_7-.Ltmp10, $4  }
.Ltmp11:
0xb5: {  	(pc) =	sbr.rel @!p1 .LBB2_6-.Ltmp11, $4  }
0xb6: {  	_ = 	snop  }
0xb7: {  	_ = 	snop  }
0xb8: {  	_ = 	snop  }
0xb9: {  	_ = 	snop  }
.LBB2_19:
0xba: {  	_ =	sfence.sel $0x180000  }
0xbb: {  	[bflag:$0x0] =	sbarrier.arrive $0xFFFF  }
0xbc: {  	_ =	strace $0x90000047  }
0xbd: {  	s0 =	stileid.u32;
	[bflag:$0x2] =	sbarrier.arrive $0xFFFF  }
0xbe: {  	p0 =	sne.s32 s0, $0x0;
	s0 =	rddreg [dreg:$0x2]  }
0xbf: {  	s0 =	sadd.s32 @!p0 $0x100000, s0  }
0xc0: {  	[sflag:s0] =	ssyncadd.tile.s32 @!p0 $0x1;
	_ =	shalt  }
.Lfunc_end2:
_tile_overlayer_lowered:
.L_overlay_start_2:
0xc1: {  	(tag) =	ssettag $0x2  }
0xc2: {  	s0 =	rddreg [dreg:$0x0];
	s2 =	stileid.u32  }
0xc3: {  	s1 =	rddreg [dreg:$0x1];
	p0 =	sne.s32 s2, $0x0  }
0xc4: {  	s3 =	rddreg [dreg:$0x2];
	[bflag:$0x3] =	sbarrier.arrive $0xFFFF;
	s2 =	simm.s32 @!p0 $0x1C08  }
0xc5: {  	[timem:s3], [sflag:s2] =	dma.local @!p0 [hbm:s0], s1  }
0xc6: {  	s0 =	simm.s32 @!p0 $0x8  }
0xc7: {  	_ =	swait.ge @!p0 [sflag:s0], s1  }
0xc8: {  	s1 =	ssub.s32 @!p0 $0x0, s1;
	[sflag:s0] =	ssyncset.done @!p0 $0x0  }
0xc9: {  	[sflag:s0] =	ssyncadd.s32 @!p0 s1  }
0xca: {  	[bflag:$0x3] =	sbarrier.arrive $0xFFFF  }
0xcb: {  	_ =	shalt  }

</sc_bundles>
